<compile_context>
chip_gen: v7x
topology: tpu7x:2x2x1
jax: 0.10.2.dev20260603
libtpu: 0.0.44.dev20260713+nightly
codegen_flags: <defaults>
</compile_context>

<pallas_src>
import functools

import jax
import jax.numpy as jnp
import numpy as np
from jax import lax
from jax.experimental import pallas as pl
from jax.experimental.pallas import tpu as pltpu
from jax.experimental.pallas import tpu_sc as plsc

_NFRAMES = 4096
_ROW0 = 456
_NTASK = 30
_TAILBLK = 67


def _sel_matrix() -> np.ndarray:
    s = np.zeros((8, 33, 510), np.float32)
    for a in range(85):
        if a < 31:
            lm = 458 + a
        elif a < 52:
            lm = 522 + (a - 31)
        else:
            lm = 489 + (a - 52)
        for b in range(6):
            c = b % 3
            if lm < 536:
                blk, r = divmod(lm - _ROW0, 8)
                s[r, c * 10 + blk, 6 * a + b] = 1.0
            else:
                s[lm - 536, 30 + c, 6 * a + b] = 1.0
    return s


_SEL = _sel_matrix()

_mesh = plsc.VectorSubcoreMesh(core_axis_name="c", subcore_axis_name="s")


@functools.partial(
    pl.kernel,
    mesh=_mesh,
    out_type=jax.ShapeDtypeStruct((_NTASK, 8, 16), jnp.float32),
    scratch_types=[
        pltpu.VMEM((8, _NFRAMES), jnp.float32),
        pltpu.VMEM((8, 16), jnp.float32),
    ],
)
def _sc_partial_sums(x_hbm, out_hbm, buf, acc):
    wid = lax.axis_index("s") * 2 + lax.axis_index("c")

    @pl.when(wid < _NTASK)
    def _work():
        c = wid // 10
        r0 = pl.multiple_of(_ROW0 + 8 * (wid % 10), 8)
        pltpu.sync_copy(x_hbm.at[c, pl.ds(r0, 8), :], buf)

        def step(j, carry):
            new = []
            for r in range(8):
                v = carry[r]
                for t in range(8):
                    v = v + buf[r, pl.ds((j * 8 + t) * 16, 16)]
                new.append(v)
            return tuple(new)

        init = tuple(jnp.zeros((16,), jnp.float32) for _ in range(8))
        rows = lax.fori_loop(0, _NFRAMES // 128, step, init)
        for r in range(8):
            acc[r] = rows[r]
        pltpu.sync_copy(acc, out_hbm.at[wid])


def _tc_combine_body(p_ref, xtail_ref, s_ref, o_ref):
    q = jnp.sum(p_ref[...], axis=-1)
    st = jnp.sum(xtail_ref[...], axis=-1)
    lane = lax.broadcasted_iota(jnp.int32, st.shape, 1)
    st = jnp.where(lane < 7, st, 0.0)
    z = jnp.concatenate([q.T, st.T], axis=1) * (1.0 / _NFRAMES)
    z = jnp.where(jnp.isnan(z), 0.0, z)
    out = jnp.zeros((1, 510), jnp.float32)
    for r in range(8):
        out = out + jnp.dot(
            z[r : r + 1],
            s_ref[r],
            preferred_element_type=jnp.float32,
            precision=jax.lax.Precision.HIGHEST,
        )
    o_ref[...] = out[0]


def _tc_combine(partials, xt):
    return pl.pallas_call(
        _tc_combine_body,
        grid=(1,),
        in_specs=[
            pl.BlockSpec((_NTASK, 8, 16), lambda i: (0, 0, 0)),
            pl.BlockSpec((3, 8, _NFRAMES), lambda i: (0, _TAILBLK, 0)),
            pl.BlockSpec((8, 33, 510), lambda i: (0, 0, 0)),
        ],
        out_specs=pl.BlockSpec((510,), lambda i: (0,)),
        out_shape=jax.ShapeDtypeStruct((510,), jnp.float32),
    )(partials, xt, jnp.asarray(_SEL))


def kernel(x):
    xt = x.transpose(2, 1, 0)
    partials = _sc_partial_sums(xt)
    return _tc_combine(partials, xt)

# --- scband reference (transcript-rebuilt; emitter-appended) ---
"""Pipeline reference for scband-feature-generator-3281355014388 (READ-ONLY COPY).

The authoritative reference and input builder live on the scoring server;
editing this copy changes nothing except your own understanding.
"""

import jax, jax.numpy as jnp
import numpy as np

_LEFT_HAND = np.arange(458, 489, dtype=np.int64)
_RIGHT_HAND = np.arange(522, 543, dtype=np.int64)
_POSE = np.arange(489, 522, dtype=np.int64)
LANDMARK_IDX = jnp.asarray(np.concatenate([_LEFT_HAND, _RIGHT_HAND, _POSE]))


def setup_inputs(seed: int = 0) -> dict:
    key = jax.random.key(seed)
    x = jax.random.normal(key, (4096, 543, 3), dtype=jnp.float32)
    return {"x": x}


def reference(x):
    # _select_landmarks: gather 85 landmarks (left hand, right hand, pose)
    sel = jnp.take(x, LANDMARK_IDX, axis=1)
    # _compute_features: both 'mean' and 'median' are nanmean in the original code
    mean_features = jnp.nanmean(sel, axis=0)
    median_features = jnp.nanmean(sel, axis=0)
    mean_features = jnp.nan_to_num(mean_features)
    median_features = jnp.nan_to_num(median_features)
    # _shape_features: concat along dim=1 then flatten -> [85 * 6] = [510]
    features = jnp.concatenate([mean_features, median_features], axis=1)
    return features.reshape(-1)

if __name__ == "__main__":
    import jax
    _d = setup_inputs()
    print(jax.jit(kernel)(*tuple(_d.values())))

</pallas_src>

<mosaic_0001>
#map = affine_map<(d0, d1) -> (0, 0, 0)>
module attributes {stable_mosaic.version = 14 : i64} {
  func.func @_sc_partial_sums(%arg0: i32, %arg1: i32, %arg2: memref<3x543x4096xf32, #tpu.memory_space<hbm>>, %arg3: memref<30x8x16xf32, #tpu.memory_space<hbm>>, %arg4: memref<8x4096xf32, #tpu.memory_space<vmem>>, %arg5: memref<8x16xf32, #tpu.memory_space<vmem>>) attributes {dimension_semantics = [#tpu.dimension_semantics<core_parallel>, #tpu.dimension_semantics<subcore_parallel>], iteration_bounds = array<i64: 2, 16>, scalar_prefetch = 0 : i64, scratch_operands = 2 : i64, tpu.core_type = #tpu.core_type<sc_vector_subcore>, window_params = [{transform_indices = #map}, {transform_indices = #map}]} {
    %mul3A = arith.constant 2 : i32
    %mul3A_0 = arith.muli %arg1, %mul3A : i32
    %add3A = arith.addi %mul3A_0, %arg0 : i32
    %lt3A = arith.constant 30 : i32
    %lt3A_1 = arith.cmpi slt, %add3A, %lt3A : i32
    %convert_element_type3A = arith.extui %lt3A_1 : i1 to i32
    %cond3A = arith.constant 0 : i32
    %cond3A_2 = arith.cmpi ne, %convert_element_type3A, %cond3A : i32
    scf.if %cond3A_2 {
      %jit3A = arith.constant 10 : i32
      %div3A = arith.divsi %add3A, %jit3A : i32
      %sign3A = arith.constant 0 : i32
      %sign3A_3 = arith.cmpi sgt, %add3A, %sign3A : i32
      %sign3A_4 = arith.extui %sign3A_3 : i1 to i32
      %sign3A_5 = arith.constant 0 : i32
      %sign3A_6 = arith.cmpi slt, %add3A, %sign3A_5 : i32
      %sign3A_7 = arith.extui %sign3A_6 : i1 to i32
      %sign3A_8 = arith.subi %sign3A_4, %sign3A_7 : i32
      %sign3A_9 = arith.constant 0 : i32
      %sign3A_10 = arith.cmpi sgt, %jit3A, %sign3A_9 : i32
      %sign3A_11 = arith.extui %sign3A_10 : i1 to i32
      %sign3A_12 = arith.constant 0 : i32
      %sign3A_13 = arith.cmpi slt, %jit3A, %sign3A_12 : i32
      %sign3A_14 = arith.extui %sign3A_13 : i1 to i32
      %sign3A_15 = arith.subi %sign3A_11, %sign3A_14 : i32
      %ne3A = arith.cmpi ne, %sign3A_8, %sign3A_15 : i32
      %rem3A = arith.remsi %add3A, %jit3A : i32
      %ne3A_16 = arith.constant 0 : i32
      %ne3A_17 = arith.cmpi ne, %rem3A, %ne3A_16 : i32
      %and3A = arith.andi %ne3A, %ne3A_17 : i1
      %sub3A = arith.constant 1 : i32
      %sub3A_18 = arith.subi %div3A, %sub3A : i32
      %select_n3A = arith.select %and3A, %sub3A_18, %div3A : i32
      %jit3A_19 = arith.constant 10 : i32
      %eq3A = arith.constant 0 : i32
      %eq3A_20 = arith.cmpi eq, %jit3A_19, %eq3A : i32
      %jit3A_21 = arith.constant 1 : i32
      %select_n3A_22 = arith.select %eq3A_20, %jit3A_21, %jit3A_19 : i32
      %rem3A_23 = arith.remsi %add3A, %select_n3A_22 : i32
      %ne3A_24 = arith.constant 0 : i32
      %ne3A_25 = arith.cmpi ne, %rem3A_23, %ne3A_24 : i32
      %lt3A_26 = arith.constant 0 : i32
      %lt3A_27 = arith.cmpi slt, %rem3A_23, %lt3A_26 : i32
      %lt3A_28 = arith.constant 0 : i32
      %lt3A_29 = arith.cmpi slt, %select_n3A_22, %lt3A_28 : i32
      %ne3A_30 = arith.xori %lt3A_27, %lt3A_29 : i1
      %and3A_31 = arith.andi %ne3A_30, %ne3A_25 : i1
      %add3A_32 = arith.addi %rem3A_23, %select_n3A_22 : i32
      %select_n3A_33 = arith.select %and3A_31, %add3A_32, %rem3A_23 : i32
      %mul3A_34 = arith.constant 8 : i32
      %mul3A_35 = arith.muli %mul3A_34, %select_n3A_33 : i32
      %add3A_36 = arith.constant 456 : i32
      %add3A_37 = arith.addi %add3A_36, %mul3A_35 : i32
      %multiple_of3A = tpu.assume_multiple %add3A_37, 8 : i32
      "tpu.region"() ({
        %run_scoped3A = tpu.sem_alloc : memref<!tpu.dma_semaphore, #tpu.memory_space<semaphore_mem>>
        %dma_start3A = arith.constant 0 : i32
        %dma_start3A_105 = tpu.memref_slice %arg2[%select_n3A, %multiple_of3A, %dma_start3A] : memref<3x543x4096xf32, #tpu.memory_space<hbm>> -> memref<1x8x4096xf32, #tpu.memory_space<hbm>>
        %dma_start3A_106 = tpu.memref_squeeze %dma_start3A_105 : memref<1x8x4096xf32, #tpu.memory_space<hbm>> -> memref<8x4096xf32, #tpu.memory_space<hbm>>
        %dma_start3A_107 = arith.constant 0 : i32
        %dma_start3A_108 = tpu.memref_slice %arg2[%select_n3A, %multiple_of3A, %dma_start3A_107] : memref<3x543x4096xf32, #tpu.memory_space<hbm>> -> memref<1x8x4096xf32, #tpu.memory_space<hbm>>
        %dma_start3A_109 = tpu.memref_squeeze %dma_start3A_108 : memref<1x8x4096xf32, #tpu.memory_space<hbm>> -> memref<8x4096xf32, #tpu.memory_space<hbm>>
        tpu.enqueue_dma source(%dma_start3A_109 : memref<8x4096xf32, #tpu.memory_space<hbm>>) target(%arg4 : memref<8x4096xf32, #tpu.memory_space<vmem>>) target_semaphore(%run_scoped3A : memref<!tpu.dma_semaphore, #tpu.memory_space<semaphore_mem>>)
        %dma_wait3A = arith.constant 0 : i32
        %dma_wait3A_110 = tpu.memref_slice %arg2[%select_n3A, %multiple_of3A, %dma_wait3A] : memref<3x543x4096xf32, #tpu.memory_space<hbm>> -> memref<1x8x4096xf32, #tpu.memory_space<hbm>>
        %dma_wait3A_111 = tpu.memref_squeeze %dma_wait3A_110 : memref<1x8x4096xf32, #tpu.memory_space<hbm>> -> memref<8x4096xf32, #tpu.memory_space<hbm>>
        %dma_wait3A_112 = arith.constant 0 : i32
        %dma_wait3A_113 = tpu.memref_slice %arg2[%select_n3A, %multiple_of3A, %dma_wait3A_112] : memref<3x543x4096xf32, #tpu.memory_space<hbm>> -> memref<1x8x4096xf32, #tpu.memory_space<hbm>>
        %dma_wait3A_114 = tpu.memref_squeeze %dma_wait3A_113 : memref<1x8x4096xf32, #tpu.memory_space<hbm>> -> memref<8x4096xf32, #tpu.memory_space<hbm>>
        tpu.wait_dma2 semaphore(%run_scoped3A : memref<!tpu.dma_semaphore, #tpu.memory_space<semaphore_mem>>) src(%dma_wait3A_114 : memref<8x4096xf32, #tpu.memory_space<hbm>>) dst(%arg4 : memref<8x4096xf32, #tpu.memory_space<vmem>>)
        tpu.yield
      }) : () -> ()
      %broadcast_in_dim3A = arith.constant 0.000000e+00 : f32
      %broadcast_in_dim3A_38 = vector.broadcast %broadcast_in_dim3A : f32 to vector<16xf32>
      %broadcast_in_dim3A_39 = arith.constant 0.000000e+00 : f32
      %broadcast_in_dim3A_40 = vector.broadcast %broadcast_in_dim3A_39 : f32 to vector<16xf32>
      %broadcast_in_dim3A_41 = arith.constant 0.000000e+00 : f32
      %broadcast_in_dim3A_42 = vector.broadcast %broadcast_in_dim3A_41 : f32 to vector<16xf32>
      %broadcast_in_dim3A_43 = arith.constant 0.000000e+00 : f32
      %broadcast_in_dim3A_44 = vector.broadcast %broadcast_in_dim3A_43 : f32 to vector<16xf32>
      %broadcast_in_dim3A_45 = arith.constant 0.000000e+00 : f32
      %broadcast_in_dim3A_46 = vector.broadcast %broadcast_in_dim3A_45 : f32 to vector<16xf32>
      %broadcast_in_dim3A_47 = arith.constant 0.000000e+00 : f32
      %broadcast_in_dim3A_48 = vector.broadcast %broadcast_in_dim3A_47 : f32 to vector<16xf32>
      %broadcast_in_dim3A_49 = arith.constant 0.000000e+00 : f32
      %broadcast_in_dim3A_50 = vector.broadcast %broadcast_in_dim3A_49 : f32 to vector<16xf32>
      %broadcast_in_dim3A_51 = arith.constant 0.000000e+00 : f32
      %broadcast_in_dim3A_52 = vector.broadcast %broadcast_in_dim3A_51 : f32 to vector<16xf32>
      %scan3A = arith.constant 0 : i32
      %scan3A_53 = arith.constant 32 : i32
      %scan3A_54 = arith.addi %scan3A, %scan3A_53 : i32
      %scan3A_55 = arith.constant 1 : i32
      %scan3A_56:8 = scf.for %scan3A_105 = %scan3A to %scan3A_54 step %scan3A_55 iter_args(%scan3A_106 = %broadcast_in_dim3A_38, %scan3A_107 = %broadcast_in_dim3A_40, %scan3A_108 = %broadcast_in_dim3A_42, %scan3A_109 = %broadcast_in_dim3A_44, %scan3A_110 = %broadcast_in_dim3A_46, %scan3A_111 = %broadcast_in_dim3A_48, %scan3A_112 = %broadcast_in_dim3A_50, %scan3A_113 = %broadcast_in_dim3A_52) -> (vector<16xf32>, vector<16xf32>, vector<16xf32>, vector<16xf32>, vector<16xf32>, vector<16xf32>, vector<16xf32>, vector<16xf32>)  : i32 {
        %mul3A_114 = arith.constant 8 : i32
        %mul3A_115 = arith.muli %scan3A_105, %mul3A_114 : i32
        %add3A_116 = arith.constant 0 : i32
        %add3A_117 = arith.addi %mul3A_115, %add3A_116 : i32
        %mul3A_118 = arith.constant 16 : i32
        %mul3A_119 = arith.muli %add3A_117, %mul3A_118 : i32
        %get3A = arith.constant 0 : i32
        %get3A_120 = arith.index_cast %get3A : i32 to index
        %get3A_121 = arith.index_cast %mul3A_119 : i32 to index
        %get3A_122 = tpu.vector_load %arg4[%get3A_120, %get3A_121] {strides = array<i32>} : memref<8x4096xf32, #tpu.memory_space<vmem>>, vector<1x16xf32>,
        %get3A_123 = vector.shape_cast %get3A_122 : vector<1x16xf32> to vector<16xf32>
        %add3A_124 = arith.addf %scan3A_106, %get3A_123 : vector<16xf32>
        %mul3A_125 = arith.constant 8 : i32
        %mul3A_126 = arith.muli %scan3A_105, %mul3A_125 : i32
        %add3A_127 = arith.constant 1 : i32
        %add3A_128 = arith.addi %mul3A_126, %add3A_127 : i32
        %mul3A_129 = arith.constant 16 : i32
        %mul3A_130 = arith.muli %add3A_128, %mul3A_129 : i32
        %get3A_131 = arith.constant 0 : i32
        %get3A_132 = arith.index_cast %get3A_131 : i32 to index
        %get3A_133 = arith.index_cast %mul3A_130 : i32 to index
        %get3A_134 = tpu.vector_load %arg4[%get3A_132, %get3A_133] {strides = array<i32>} : memref<8x4096xf32, #tpu.memory_space<vmem>>, vector<1x16xf32>,
        %get3A_135 = vector.shape_cast %get3A_134 : vector<1x16xf32> to vector<16xf32>
        %add3A_136 = arith.addf %add3A_124, %get3A_135 : vector<16xf32>
        %mul3A_137 = arith.constant 8 : i32
        %mul3A_138 = arith.muli %scan3A_105, %mul3A_137 : i32
        %add3A_139 = arith.constant 2 : i32
        %add3A_140 = arith.addi %mul3A_138, %add3A_139 : i32
        %mul3A_141 = arith.constant 16 : i32
        %mul3A_142 = arith.muli %add3A_140, %mul3A_141 : i32
        %get3A_143 = arith.constant 0 : i32
        %get3A_144 = arith.index_cast %get3A_143 : i32 to index
        %get3A_145 = arith.index_cast %mul3A_142 : i32 to index
        %get3A_146 = tpu.vector_load %arg4[%get3A_144, %get3A_145] {strides = array<i32>} : memref<8x4096xf32, #tpu.memory_space<vmem>>, vector<1x16xf32>,
        %get3A_147 = vector.shape_cast %get3A_146 : vector<1x16xf32> to vector<16xf32>
        %add3A_148 = arith.addf %add3A_136, %get3A_147 : vector<16xf32>
        %mul3A_149 = arith.constant 8 : i32
        %mul3A_150 = arith.muli %scan3A_105, %mul3A_149 : i32
        %add3A_151 = arith.constant 3 : i32
        %add3A_152 = arith.addi %mul3A_150, %add3A_151 : i32
        %mul3A_153 = arith.constant 16 : i32
        %mul3A_154 = arith.muli %add3A_152, %mul3A_153 : i32
        %get3A_155 = arith.constant 0 : i32
        %get3A_156 = arith.index_cast %get3A_155 : i32 to index
        %get3A_157 = arith.index_cast %mul3A_154 : i32 to index
        %get3A_158 = tpu.vector_load %arg4[%get3A_156, %get3A_157] {strides = array<i32>} : memref<8x4096xf32, #tpu.memory_space<vmem>>, vector<1x16xf32>,
        %get3A_159 = vector.shape_cast %get3A_158 : vector<1x16xf32> to vector<16xf32>
        %add3A_160 = arith.addf %add3A_148, %get3A_159 : vector<16xf32>
        %mul3A_161 = arith.constant 8 : i32
        %mul3A_162 = arith.muli %scan3A_105, %mul3A_161 : i32
        %add3A_163 = arith.constant 4 : i32
        %add3A_164 = arith.addi %mul3A_162, %add3A_163 : i32
        %mul3A_165 = arith.constant 16 : i32
        %mul3A_166 = arith.muli %add3A_164, %mul3A_165 : i32
        %get3A_167 = arith.constant 0 : i32
        %get3A_168 = arith.index_cast %get3A_167 : i32 to index
        %get3A_169 = arith.index_cast %mul3A_166 : i32 to index
        %get3A_170 = tpu.vector_load %arg4[%get3A_168, %get3A_169] {strides = array<i32>} : memref<8x4096xf32, #tpu.memory_space<vmem>>, vector<1x16xf32>,
        %get3A_171 = vector.shape_cast %get3A_170 : vector<1x16xf32> to vector<16xf32>
        %add3A_172 = arith.addf %add3A_160, %get3A_171 : vector<16xf32>
        %mul3A_173 = arith.constant 8 : i32
        %mul3A_174 = arith.muli %scan3A_105, %mul3A_173 : i32
        %add3A_175 = arith.constant 5 : i32
        %add3A_176 = arith.addi %mul3A_174, %add3A_175 : i32
        %mul3A_177 = arith.constant 16 : i32
        %mul3A_178 = arith.muli %add3A_176, %mul3A_177 : i32
        %get3A_179 = arith.constant 0 : i32
        %get3A_180 = arith.index_cast %get3A_179 : i32 to index
        %get3A_181 = arith.index_cast %mul3A_178 : i32 to index
        %get3A_182 = tpu.vector_load %arg4[%get3A_180, %get3A_181] {strides = array<i32>} : memref<8x4096xf32, #tpu.memory_space<vmem>>, vector<1x16xf32>,
        %get3A_183 = vector.shape_cast %get3A_182 : vector<1x16xf32> to vector<16xf32>
        %add3A_184 = arith.addf %add3A_172, %get3A_183 : vector<16xf32>
        %mul3A_185 = arith.constant 8 : i32
        %mul3A_186 = arith.muli %scan3A_105, %mul3A_185 : i32
        %add3A_187 = arith.constant 6 : i32
        %add3A_188 = arith.addi %mul3A_186, %add3A_187 : i32
        %mul3A_189 = arith.constant 16 : i32
        %mul3A_190 = arith.muli %add3A_188, %mul3A_189 : i32
        %get3A_191 = arith.constant 0 : i32
        %get3A_192 = arith.index_cast %get3A_191 : i32 to index
        %get3A_193 = arith.index_cast %mul3A_190 : i32 to index
        %get3A_194 = tpu.vector_load %arg4[%get3A_192, %get3A_193] {strides = array<i32>} : memref<8x4096xf32, #tpu.memory_space<vmem>>, vector<1x16xf32>,
        %get3A_195 = vector.shape_cast %get3A_194 : vector<1x16xf32> to vector<16xf32>
        %add3A_196 = arith.addf %add3A_184, %get3A_195 : vector<16xf32>
        %mul3A_197 = arith.constant 8 : i32
        %mul3A_198 = arith.muli %scan3A_105, %mul3A_197 : i32
        %add3A_199 = arith.constant 7 : i32
        %add3A_200 = arith.addi %mul3A_198, %add3A_199 : i32
        %mul3A_201 = arith.constant 16 : i32
        %mul3A_202 = arith.muli %add3A_200, %mul3A_201 : i32
        %get3A_203 = arith.constant 0 : i32
        %get3A_204 = arith.index_cast %get3A_203 : i32 to index
        %get3A_205 = arith.index_cast %mul3A_202 : i32 to index
        %get3A_206 = tpu.vector_load %arg4[%get3A_204, %get3A_205] {strides = array<i32>} : memref<8x4096xf32, #tpu.memory_space<vmem>>, vector<1x16xf32>,
        %get3A_207 = vector.shape_cast %get3A_206 : vector<1x16xf32> to vector<16xf32>
        %add3A_208 = arith.addf %add3A_196, %get3A_207 : vector<16xf32>
        %mul3A_209 = arith.constant 8 : i32
        %mul3A_210 = arith.muli %scan3A_105, %mul3A_209 : i32
        %add3A_211 = arith.constant 0 : i32
        %add3A_212 = arith.addi %mul3A_210, %add3A_211 : i32
        %mul3A_213 = arith.constant 16 : i32
        %mul3A_214 = arith.muli %add3A_212, %mul3A_213 : i32
        %get3A_215 = arith.constant 1 : i32
        %get3A_216 = arith.index_cast %get3A_215 : i32 to index
        %get3A_217 = arith.index_cast %mul3A_214 : i32 to index
        %get3A_218 = tpu.vector_load %arg4[%get3A_216, %get3A_217] {strides = array<i32>} : memref<8x4096xf32, #tpu.memory_space<vmem>>, vector<1x16xf32>,
        %get3A_219 = vector.shape_cast %get3A_218 : vector<1x16xf32> to vector<16xf32>
        %add3A_220 = arith.addf %scan3A_107, %get3A_219 : vector<16xf32>
        %mul3A_221 = arith.constant 8 : i32
        %mul3A_222 = arith.muli %scan3A_105, %mul3A_221 : i32
        %add3A_223 = arith.constant 1 : i32
        %add3A_224 = arith.addi %mul3A_222, %add3A_223 : i32
        %mul3A_225 = arith.constant 16 : i32
        %mul3A_226 = arith.muli %add3A_224, %mul3A_225 : i32
        %get3A_227 = arith.constant 1 : i32
        %get3A_228 = arith.index_cast %get3A_227 : i32 to index
        %get3A_229 = arith.index_cast %mul3A_226 : i32 to index
        %get3A_230 = tpu.vector_load %arg4[%get3A_228, %get3A_229] {strides = array<i32>} : memref<8x4096xf32, #tpu.memory_space<vmem>>, vector<1x16xf32>,
        %get3A_231 = vector.shape_cast %get3A_230 : vector<1x16xf32> to vector<16xf32>
        %add3A_232 = arith.addf %add3A_220, %get3A_231 : vector<16xf32>
        %mul3A_233 = arith.constant 8 : i32
        %mul3A_234 = arith.muli %scan3A_105, %mul3A_233 : i32
        %add3A_235 = arith.constant 2 : i32
        %add3A_236 = arith.addi %mul3A_234, %add3A_235 : i32
        %mul3A_237 = arith.constant 16 : i32
        %mul3A_238 = arith.muli %add3A_236, %mul3A_237 : i32
        %get3A_239 = arith.constant 1 : i32
        %get3A_240 = arith.index_cast %get3A_239 : i32 to index
        %get3A_241 = arith.index_cast %mul3A_238 : i32 to index
        %get3A_242 = tpu.vector_load %arg4[%get3A_240, %get3A_241] {strides = array<i32>} : memref<8x4096xf32, #tpu.memory_space<vmem>>, vector<1x16xf32>,
        %get3A_243 = vector.shape_cast %get3A_242 : vector<1x16xf32> to vector<16xf32>
        %add3A_244 = arith.addf %add3A_232, %get3A_243 : vector<16xf32>
        %mul3A_245 = arith.constant 8 : i32
        %mul3A_246 = arith.muli %scan3A_105, %mul3A_245 : i32
        %add3A_247 = arith.constant 3 : i32
        %add3A_248 = arith.addi %mul3A_246, %add3A_247 : i32
        %mul3A_249 = arith.constant 16 : i32
        %mul3A_250 = arith.muli %add3A_248, %mul3A_249 : i32
        %get3A_251 = arith.constant 1 : i32
        %get3A_252 = arith.index_cast %get3A_251 : i32 to index
        %get3A_253 = arith.index_cast %mul3A_250 : i32 to index
        %get3A_254 = tpu.vector_load %arg4[%get3A_252, %get3A_253] {strides = array<i32>} : memref<8x4096xf32, #tpu.memory_space<vmem>>, vector<1x16xf32>,
        %get3A_255 = vector.shape_cast %get3A_254 : vector<1x16xf32> to vector<16xf32>
        %add3A_256 = arith.addf %add3A_244, %get3A_255 : vector<16xf32>
        %mul3A_257 = arith.constant 8 : i32
        %mul3A_258 = arith.muli %scan3A_105, %mul3A_257 : i32
        %add3A_259 = arith.constant 4 : i32
        %add3A_260 = arith.addi %mul3A_258, %add3A_259 : i32
        %mul3A_261 = arith.constant 16 : i32
        %mul3A_262 = arith.muli %add3A_260, %mul3A_261 : i32
        %get3A_263 = arith.constant 1 : i32
        %get3A_264 = arith.index_cast %get3A_263 : i32 to index
        %get3A_265 = arith.index_cast %mul3A_262 : i32 to index
        %get3A_266 = tpu.vector_load %arg4[%get3A_264, %get3A_265] {strides = array<i32>} : memref<8x4096xf32, #tpu.memory_space<vmem>>, vector<1x16xf32>,
        %get3A_267 = vector.shape_cast %get3A_266 : vector<1x16xf32> to vector<16xf32>
        %add3A_268 = arith.addf %add3A_256, %get3A_267 : vector<16xf32>
        %mul3A_269 = arith.constant 8 : i32
        %mul3A_270 = arith.muli %scan3A_105, %mul3A_269 : i32
        %add3A_271 = arith.constant 5 : i32
        %add3A_272 = arith.addi %mul3A_270, %add3A_271 : i32
        %mul3A_273 = arith.constant 16 : i32
        %mul3A_274 = arith.muli %add3A_272, %mul3A_273 : i32
        %get3A_275 = arith.constant 1 : i32
        %get3A_276 = arith.index_cast %get3A_275 : i32 to index
        %get3A_277 = arith.index_cast %mul3A_274 : i32 to index
        %get3A_278 = tpu.vector_load %arg4[%get3A_276, %get3A_277] {strides = array<i32>} : memref<8x4096xf32, #tpu.memory_space<vmem>>, vector<1x16xf32>,
        %get3A_279 = vector.shape_cast %get3A_278 : vector<1x16xf32> to vector<16xf32>
        %add3A_280 = arith.addf %add3A_268, %get3A_279 : vector<16xf32>
        %mul3A_281 = arith.constant 8 : i32
        %mul3A_282 = arith.muli %scan3A_105, %mul3A_281 : i32
        %add3A_283 = arith.constant 6 : i32
        %add3A_284 = arith.addi %mul3A_282, %add3A_283 : i32
        %mul3A_285 = arith.constant 16 : i32
        %mul3A_286 = arith.muli %add3A_284, %mul3A_285 : i32
        %get3A_287 = arith.constant 1 : i32
        %get3A_288 = arith.index_cast %get3A_287 : i32 to index
        %get3A_289 = arith.index_cast %mul3A_286 : i32 to index
        %get3A_290 = tpu.vector_load %arg4[%get3A_288, %get3A_289] {strides = array<i32>} : memref<8x4096xf32, #tpu.memory_space<vmem>>, vector<1x16xf32>,
        %get3A_291 = vector.shape_cast %get3A_290 : vector<1x16xf32> to vector<16xf32>
        %add3A_292 = arith.addf %add3A_280, %get3A_291 : vector<16xf32>
        %mul3A_293 = arith.constant 8 : i32
        %mul3A_294 = arith.muli %scan3A_105, %mul3A_293 : i32
        %add3A_295 = arith.constant 7 : i32
        %add3A_296 = arith.addi %mul3A_294, %add3A_295 : i32
        %mul3A_297 = arith.constant 16 : i32
        %mul3A_298 = arith.muli %add3A_296, %mul3A_297 : i32
        %get3A_299 = arith.constant 1 : i32
        %get3A_300 = arith.index_cast %get3A_299 : i32 to index
        %get3A_301 = arith.index_cast %mul3A_298 : i32 to index
        %get3A_302 = tpu.vector_load %arg4[%get3A_300, %get3A_301] {strides = array<i32>} : memref<8x4096xf32, #tpu.memory_space<vmem>>, vector<1x16xf32>,
        %get3A_303 = vector.shape_cast %get3A_302 : vector<1x16xf32> to vector<16xf32>
        %add3A_304 = arith.addf %add3A_292, %get3A_303 : vector<16xf32>
        %mul3A_305 = arith.constant 8 : i32
        %mul3A_306 = arith.muli %scan3A_105, %mul3A_305 : i32
        %add3A_307 = arith.constant 0 : i32
        %add3A_308 = arith.addi %mul3A_306, %add3A_307 : i32
        %mul3A_309 = arith.constant 16 : i32
        %mul3A_310 = arith.muli %add3A_308, %mul3A_309 : i32
        %get3A_311 = arith.constant 2 : i32
        %get3A_312 = arith.index_cast %get3A_311 : i32 to index
        %get3A_313 = arith.index_cast %mul3A_310 : i32 to index
        %get3A_314 = tpu.vector_load %arg4[%get3A_312, %get3A_313] {strides = array<i32>} : memref<8x4096xf32, #tpu.memory_space<vmem>>, vector<1x16xf32>,
        %get3A_315 = vector.shape_cast %get3A_314 : vector<1x16xf32> to vector<16xf32>
        %add3A_316 = arith.addf %scan3A_108, %get3A_315 : vector<16xf32>
        %mul3A_317 = arith.constant 8 : i32
        %mul3A_318 = arith.muli %scan3A_105, %mul3A_317 : i32
        %add3A_319 = arith.constant 1 : i32
        %add3A_320 = arith.addi %mul3A_318, %add3A_319 : i32
        %mul3A_321 = arith.constant 16 : i32
        %mul3A_322 = arith.muli %add3A_320, %mul3A_321 : i32
        %get3A_323 = arith.constant 2 : i32
        %get3A_324 = arith.index_cast %get3A_323 : i32 to index
        %get3A_325 = arith.index_cast %mul3A_322 : i32 to index
        %get3A_326 = tpu.vector_load %arg4[%get3A_324, %get3A_325] {strides = array<i32>} : memref<8x4096xf32, #tpu.memory_space<vmem>>, vector<1x16xf32>,
        %get3A_327 = vector.shape_cast %get3A_326 : vector<1x16xf32> to vector<16xf32>
        %add3A_328 = arith.addf %add3A_316, %get3A_327 : vector<16xf32>
        %mul3A_329 = arith.constant 8 : i32
        %mul3A_330 = arith.muli %scan3A_105, %mul3A_329 : i32
        %add3A_331 = arith.constant 2 : i32
        %add3A_332 = arith.addi %mul3A_330, %add3A_331 : i32
        %mul3A_333 = arith.constant 16 : i32
        %mul3A_334 = arith.muli %add3A_332, %mul3A_333 : i32
        %get3A_335 = arith.constant 2 : i32
        %get3A_336 = arith.index_cast %get3A_335 : i32 to index
        %get3A_337 = arith.index_cast %mul3A_334 : i32 to index
        %get3A_338 = tpu.vector_load %arg4[%get3A_336, %get3A_337] {strides = array<i32>} : memref<8x4096xf32, #tpu.memory_space<vmem>>, vector<1x16xf32>,
        %get3A_339 = vector.shape_cast %get3A_338 : vector<1x16xf32> to vector<16xf32>
        %add3A_340 = arith.addf %add3A_328, %get3A_339 : vector<16xf32>
        %mul3A_341 = arith.constant 8 : i32
        %mul3A_342 = arith.muli %scan3A_105, %mul3A_341 : i32
        %add3A_343 = arith.constant 3 : i32
        %add3A_344 = arith.addi %mul3A_342, %add3A_343 : i32
        %mul3A_345 = arith.constant 16 : i32
        %mul3A_346 = arith.muli %add3A_344, %mul3A_345 : i32
        %get3A_347 = arith.constant 2 : i32
        %get3A_348 = arith.index_cast %get3A_347 : i32 to index
        %get3A_349 = arith.index_cast %mul3A_346 : i32 to index
        %get3A_350 = tpu.vector_load %arg4[%get3A_348, %get3A_349] {strides = array<i32>} : memref<8x4096xf32, #tpu.memory_space<vmem>>, vector<1x16xf32>,
        %get3A_351 = vector.shape_cast %get3A_350 : vector<1x16xf32> to vector<16xf32>
        %add3A_352 = arith.addf %add3A_340, %get3A_351 : vector<16xf32>
        %mul3A_353 = arith.constant 8 : i32
        %mul3A_354 = arith.muli %scan3A_105, %mul3A_353 : i32
        %add3A_355 = arith.constant 4 : i32
        %add3A_356 = arith.addi %mul3A_354, %add3A_355 : i32
        %mul3A_357 = arith.constant 16 : i32
        %mul3A_358 = arith.muli %add3A_356, %mul3A_357 : i32
        %get3A_359 = arith.constant 2 : i32
        %get3A_360 = arith.index_cast %get3A_359 : i32 to index
        %get3A_361 = arith.index_cast %mul3A_358 : i32 to index
        %get3A_362 = tpu.vector_load %arg4[%get3A_360, %get3A_361] {strides = array<i32>} : memref<8x4096xf32, #tpu.memory_space<vmem>>, vector<1x16xf32>,
        %get3A_363 = vector.shape_cast %get3A_362 : vector<1x16xf32> to vector<16xf32>
        %add3A_364 = arith.addf %add3A_352, %get3A_363 : vector<16xf32>
        %mul3A_365 = arith.constant 8 : i32
        %mul3A_366 = arith.muli %scan3A_105, %mul3A_365 : i32
        %add3A_367 = arith.constant 5 : i32
        %add3A_368 = arith.addi %mul3A_366, %add3A_367 : i32
        %mul3A_369 = arith.constant 16 : i32
        %mul3A_370 = arith.muli %add3A_368, %mul3A_369 : i32
        %get3A_371 = arith.constant 2 : i32
        %get3A_372 = arith.index_cast %get3A_371 : i32 to index
        %get3A_373 = arith.index_cast %mul3A_370 : i32 to index
        %get3A_374 = tpu.vector_load %arg4[%get3A_372, %get3A_373] {strides = array<i32>} : memref<8x4096xf32, #tpu.memory_space<vmem>>, vector<1x16xf32>,
        %get3A_375 = vector.shape_cast %get3A_374 : vector<1x16xf32> to vector<16xf32>
        %add3A_376 = arith.addf %add3A_364, %get3A_375 : vector<16xf32>
        %mul3A_377 = arith.constant 8 : i32
        %mul3A_378 = arith.muli %scan3A_105, %mul3A_377 : i32
        %add3A_379 = arith.constant 6 : i32
        %add3A_380 = arith.addi %mul3A_378, %add3A_379 : i32
        %mul3A_381 = arith.constant 16 : i32
        %mul3A_382 = arith.muli %add3A_380, %mul3A_381 : i32
        %get3A_383 = arith.constant 2 : i32
        %get3A_384 = arith.index_cast %get3A_383 : i32 to index
        %get3A_385 = arith.index_cast %mul3A_382 : i32 to index
        %get3A_386 = tpu.vector_load %arg4[%get3A_384, %get3A_385] {strides = array<i32>} : memref<8x4096xf32, #tpu.memory_space<vmem>>, vector<1x16xf32>,
        %get3A_387 = vector.shape_cast %get3A_386 : vector<1x16xf32> to vector<16xf32>
        %add3A_388 = arith.addf %add3A_376, %get3A_387 : vector<16xf32>
        %mul3A_389 = arith.constant 8 : i32
        %mul3A_390 = arith.muli %scan3A_105, %mul3A_389 : i32
        %add3A_391 = arith.constant 7 : i32
        %add3A_392 = arith.addi %mul3A_390, %add3A_391 : i32
        %mul3A_393 = arith.constant 16 : i32
        %mul3A_394 = arith.muli %add3A_392, %mul3A_393 : i32
        %get3A_395 = arith.constant 2 : i32
        %get3A_396 = arith.index_cast %get3A_395 : i32 to index
        %get3A_397 = arith.index_cast %mul3A_394 : i32 to index
        %get3A_398 = tpu.vector_load %arg4[%get3A_396, %get3A_397] {strides = array<i32>} : memref<8x4096xf32, #tpu.memory_space<vmem>>, vector<1x16xf32>,
        %get3A_399 = vector.shape_cast %get3A_398 : vector<1x16xf32> to vector<16xf32>
        %add3A_400 = arith.addf %add3A_388, %get3A_399 : vector<16xf32>
        %mul3A_401 = arith.constant 8 : i32
        %mul3A_402 = arith.muli %scan3A_105, %mul3A_401 : i32
        %add3A_403 = arith.constant 0 : i32
        %add3A_404 = arith.addi %mul3A_402, %add3A_403 : i32
        %mul3A_405 = arith.constant 16 : i32
        %mul3A_406 = arith.muli %add3A_404, %mul3A_405 : i32
        %get3A_407 = arith.constant 3 : i32
        %get3A_408 = arith.index_cast %get3A_407 : i32 to index
        %get3A_409 = arith.index_cast %mul3A_406 : i32 to index
        %get3A_410 = tpu.vector_load %arg4[%get3A_408, %get3A_409] {strides = array<i32>} : memref<8x4096xf32, #tpu.memory_space<vmem>>, vector<1x16xf32>,
        %get3A_411 = vector.shape_cast %get3A_410 : vector<1x16xf32> to vector<16xf32>
        %add3A_412 = arith.addf %scan3A_109, %get3A_411 : vector<16xf32>
        %mul3A_413 = arith.constant 8 : i32
        %mul3A_414 = arith.muli %scan3A_105, %mul3A_413 : i32
        %add3A_415 = arith.constant 1 : i32
        %add3A_416 = arith.addi %mul3A_414, %add3A_415 : i32
        %mul3A_417 = arith.constant 16 : i32
        %mul3A_418 = arith.muli %add3A_416, %mul3A_417 : i32
        %get3A_419 = arith.constant 3 : i32
        %get3A_420 = arith.index_cast %get3A_419 : i32 to index
        %get3A_421 = arith.index_cast %mul3A_418 : i32 to index
        %get3A_422 = tpu.vector_load %arg4[%get3A_420, %get3A_421] {strides = array<i32>} : memref<8x4096xf32, #tpu.memory_space<vmem>>, vector<1x16xf32>,
        %get3A_423 = vector.shape_cast %get3A_422 : vector<1x16xf32> to vector<16xf32>
        %add3A_424 = arith.addf %add3A_412, %get3A_423 : vector<16xf32>
        %mul3A_425 = arith.constant 8 : i32
        %mul3A_426 = arith.muli %scan3A_105, %mul3A_425 : i32
        %add3A_427 = arith.constant 2 : i32
        %add3A_428 = arith.addi %mul3A_426, %add3A_427 : i32
        %mul3A_429 = arith.constant 16 : i32
        %mul3A_430 = arith.muli %add3A_428, %mul3A_429 : i32
        %get3A_431 = arith.constant 3 : i32
        %get3A_432 = arith.index_cast %get3A_431 : i32 to index
        %get3A_433 = arith.index_cast %mul3A_430 : i32 to index
        %get3A_434 = tpu.vector_load %arg4[%get3A_432, %get3A_433] {strides = array<i32>} : memref<8x4096xf32, #tpu.memory_space<vmem>>, vector<1x16xf32>,
        %get3A_435 = vector.shape_cast %get3A_434 : vector<1x16xf32> to vector<16xf32>
        %add3A_436 = arith.addf %add3A_424, %get3A_435 : vector<16xf32>
        %mul3A_437 = arith.constant 8 : i32
        %mul3A_438 = arith.muli %scan3A_105, %mul3A_437 : i32
        %add3A_439 = arith.constant 3 : i32
        %add3A_440 = arith.addi %mul3A_438, %add3A_439 : i32
        %mul3A_441 = arith.constant 16 : i32
        %mul3A_442 = arith.muli %add3A_440, %mul3A_441 : i32
        %get3A_443 = arith.constant 3 : i32
        %get3A_444 = arith.index_cast %get3A_443 : i32 to index
        %get3A_445 = arith.index_cast %mul3A_442 : i32 to index
        %get3A_446 = tpu.vector_load %arg4[%get3A_444, %get3A_445] {strides = array<i32>} : memref<8x4096xf32, #tpu.memory_space<vmem>>, vector<1x16xf32>,
        %get3A_447 = vector.shape_cast %get3A_446 : vector<1x16xf32> to vector<16xf32>
        %add3A_448 = arith.addf %add3A_436, %get3A_447 : vector<16xf32>
        %mul3A_449 = arith.constant 8 : i32
        %mul3A_450 = arith.muli %scan3A_105, %mul3A_449 : i32
        %add3A_451 = arith.constant 4 : i32
        %add3A_452 = arith.addi %mul3A_450, %add3A_451 : i32
        %mul3A_453 = arith.constant 16 : i32
        %mul3A_454 = arith.muli %add3A_452, %mul3A_453 : i32
        %get3A_455 = arith.constant 3 : i32
        %get3A_456 = arith.index_cast %get3A_455 : i32 to index
        %get3A_457 = arith.index_cast %mul3A_454 : i32 to index
        %get3A_458 = tpu.vector_load %arg4[%get3A_456, %get3A_457] {strides = array<i32>} : memref<8x4096xf32, #tpu.memory_space<vmem>>, vector<1x16xf32>,
        %get3A_459 = vector.shape_cast %get3A_458 : vector<1x16xf32> to vector<16xf32>
        %add3A_460 = arith.addf %add3A_448, %get3A_459 : vector<16xf32>
        %mul3A_461 = arith.constant 8 : i32
        %mul3A_462 = arith.muli %scan3A_105, %mul3A_461 : i32
        %add3A_463 = arith.constant 5 : i32
        %add3A_464 = arith.addi %mul3A_462, %add3A_463 : i32
        %mul3A_465 = arith.constant 16 : i32
        %mul3A_466 = arith.muli %add3A_464, %mul3A_465 : i32
        %get3A_467 = arith.constant 3 : i32
        %get3A_468 = arith.index_cast %get3A_467 : i32 to index
        %get3A_469 = arith.index_cast %mul3A_466 : i32 to index
        %get3A_470 = tpu.vector_load %arg4[%get3A_468, %get3A_469] {strides = array<i32>} : memref<8x4096xf32, #tpu.memory_space<vmem>>, vector<1x16xf32>,
        %get3A_471 = vector.shape_cast %get3A_470 : vector<1x16xf32> to vector<16xf32>
        %add3A_472 = arith.addf %add3A_460, %get3A_471 : vector<16xf32>
        %mul3A_473 = arith.constant 8 : i32
        %mul3A_474 = arith.muli %scan3A_105, %mul3A_473 : i32
        %add3A_475 = arith.constant 6 : i32
        %add3A_476 = arith.addi %mul3A_474, %add3A_475 : i32
        %mul3A_477 = arith.constant 16 : i32
        %mul3A_478 = arith.muli %add3A_476, %mul3A_477 : i32
        %get3A_479 = arith.constant 3 : i32
        %get3A_480 = arith.index_cast %get3A_479 : i32 to index
        %get3A_481 = arith.index_cast %mul3A_478 : i32 to index
        %get3A_482 = tpu.vector_load %arg4[%get3A_480, %get3A_481] {strides = array<i32>} : memref<8x4096xf32, #tpu.memory_space<vmem>>, vector<1x16xf32>,
        %get3A_483 = vector.shape_cast %get3A_482 : vector<1x16xf32> to vector<16xf32>
        %add3A_484 = arith.addf %add3A_472, %get3A_483 : vector<16xf32>
        %mul3A_485 = arith.constant 8 : i32
        %mul3A_486 = arith.muli %scan3A_105, %mul3A_485 : i32
        %add3A_487 = arith.constant 7 : i32
        %add3A_488 = arith.addi %mul3A_486, %add3A_487 : i32
        %mul3A_489 = arith.constant 16 : i32
        %mul3A_490 = arith.muli %add3A_488, %mul3A_489 : i32
        %get3A_491 = arith.constant 3 : i32
        %get3A_492 = arith.index_cast %get3A_491 : i32 to index
        %get3A_493 = arith.index_cast %mul3A_490 : i32 to index
        %get3A_494 = tpu.vector_load %arg4[%get3A_492, %get3A_493] {strides = array<i32>} : memref<8x4096xf32, #tpu.memory_space<vmem>>, vector<1x16xf32>,
        %get3A_495 = vector.shape_cast %get3A_494 : vector<1x16xf32> to vector<16xf32>
        %add3A_496 = arith.addf %add3A_484, %get3A_495 : vector<16xf32>
        %mul3A_497 = arith.constant 8 : i32
        %mul3A_498 = arith.muli %scan3A_105, %mul3A_497 : i32
        %add3A_499 = arith.constant 0 : i32
        %add3A_500 = arith.addi %mul3A_498, %add3A_499 : i32
        %mul3A_501 = arith.constant 16 : i32
        %mul3A_502 = arith.muli %add3A_500, %mul3A_501 : i32
        %get3A_503 = arith.constant 4 : i32
        %get3A_504 = arith.index_cast %get3A_503 : i32 to index
        %get3A_505 = arith.index_cast %mul3A_502 : i32 to index
        %get3A_506 = tpu.vector_load %arg4[%get3A_504, %get3A_505] {strides = array<i32>} : memref<8x4096xf32, #tpu.memory_space<vmem>>, vector<1x16xf32>,
        %get3A_507 = vector.shape_cast %get3A_506 : vector<1x16xf32> to vector<16xf32>
        %add3A_508 = arith.addf %scan3A_110, %get3A_507 : vector<16xf32>
        %mul3A_509 = arith.constant 8 : i32
        %mul3A_510 = arith.muli %scan3A_105, %mul3A_509 : i32
        %add3A_511 = arith.constant 1 : i32
        %add3A_512 = arith.addi %mul3A_510, %add3A_511 : i32
        %mul3A_513 = arith.constant 16 : i32
        %mul3A_514 = arith.muli %add3A_512, %mul3A_513 : i32
        %get3A_515 = arith.constant 4 : i32
        %get3A_516 = arith.index_cast %get3A_515 : i32 to index
        %get3A_517 = arith.index_cast %mul3A_514 : i32 to index
        %get3A_518 = tpu.vector_load %arg4[%get3A_516, %get3A_517] {strides = array<i32>} : memref<8x4096xf32, #tpu.memory_space<vmem>>, vector<1x16xf32>,
        %get3A_519 = vector.shape_cast %get3A_518 : vector<1x16xf32> to vector<16xf32>
        %add3A_520 = arith.addf %add3A_508, %get3A_519 : vector<16xf32>
        %mul3A_521 = arith.constant 8 : i32
        %mul3A_522 = arith.muli %scan3A_105, %mul3A_521 : i32
        %add3A_523 = arith.constant 2 : i32
        %add3A_524 = arith.addi %mul3A_522, %add3A_523 : i32
        %mul3A_525 = arith.constant 16 : i32
        %mul3A_526 = arith.muli %add3A_524, %mul3A_525 : i32
        %get3A_527 = arith.constant 4 : i32
        %get3A_528 = arith.index_cast %get3A_527 : i32 to index
        %get3A_529 = arith.index_cast %mul3A_526 : i32 to index
        %get3A_530 = tpu.vector_load %arg4[%get3A_528, %get3A_529] {strides = array<i32>} : memref<8x4096xf32, #tpu.memory_space<vmem>>, vector<1x16xf32>,
        %get3A_531 = vector.shape_cast %get3A_530 : vector<1x16xf32> to vector<16xf32>
        %add3A_532 = arith.addf %add3A_520, %get3A_531 : vector<16xf32>
        %mul3A_533 = arith.constant 8 : i32
        %mul3A_534 = arith.muli %scan3A_105, %mul3A_533 : i32
        %add3A_535 = arith.constant 3 : i32
        %add3A_536 = arith.addi %mul3A_534, %add3A_535 : i32
        %mul3A_537 = arith.constant 16 : i32
        %mul3A_538 = arith.muli %add3A_536, %mul3A_537 : i32
        %get3A_539 = arith.constant 4 : i32
        %get3A_540 = arith.index_cast %get3A_539 : i32 to index
        %get3A_541 = arith.index_cast %mul3A_538 : i32 to index
        %get3A_542 = tpu.vector_load %arg4[%get3A_540, %get3A_541] {strides = array<i32>} : memref<8x4096xf32, #tpu.memory_space<vmem>>, vector<1x16xf32>,
        %get3A_543 = vector.shape_cast %get3A_542 : vector<1x16xf32> to vector<16xf32>
        %add3A_544 = arith.addf %add3A_532, %get3A_543 : vector<16xf32>
        %mul3A_545 = arith.constant 8 : i32
        %mul3A_546 = arith.muli %scan3A_105, %mul3A_545 : i32
        %add3A_547 = arith.constant 4 : i32
        %add3A_548 = arith.addi %mul3A_546, %add3A_547 : i32
        %mul3A_549 = arith.constant 16 : i32
        %mul3A_550 = arith.muli %add3A_548, %mul3A_549 : i32
        %get3A_551 = arith.constant 4 : i32
        %get3A_552 = arith.index_cast %get3A_551 : i32 to index
        %get3A_553 = arith.index_cast %mul3A_550 : i32 to index
        %get3A_554 = tpu.vector_load %arg4[%get3A_552, %get3A_553] {strides = array<i32>} : memref<8x4096xf32, #tpu.memory_space<vmem>>, vector<1x16xf32>,
        %get3A_555 = vector.shape_cast %get3A_554 : vector<1x16xf32> to vector<16xf32>
        %add3A_556 = arith.addf %add3A_544, %get3A_555 : vector<16xf32>
        %mul3A_557 = arith.constant 8 : i32
        %mul3A_558 = arith.muli %scan3A_105, %mul3A_557 : i32
        %add3A_559 = arith.constant 5 : i32
        %add3A_560 = arith.addi %mul3A_558, %add3A_559 : i32
        %mul3A_561 = arith.constant 16 : i32
        %mul3A_562 = arith.muli %add3A_560, %mul3A_561 : i32
        %get3A_563 = arith.constant 4 : i32
        %get3A_564 = arith.index_cast %get3A_563 : i32 to index
        %get3A_565 = arith.index_cast %mul3A_562 : i32 to index
        %get3A_566 = tpu.vector_load %arg4[%get3A_564, %get3A_565] {strides = array<i32>} : memref<8x4096xf32, #tpu.memory_space<vmem>>, vector<1x16xf32>,
        %get3A_567 = vector.shape_cast %get3A_566 : vector<1x16xf32> to vector<16xf32>
        %add3A_568 = arith.addf %add3A_556, %get3A_567 : vector<16xf32>
        %mul3A_569 = arith.constant 8 : i32
        %mul3A_570 = arith.muli %scan3A_105, %mul3A_569 : i32
        %add3A_571 = arith.constant 6 : i32
        %add3A_572 = arith.addi %mul3A_570, %add3A_571 : i32
        %mul3A_573 = arith.constant 16 : i32
        %mul3A_574 = arith.muli %add3A_572, %mul3A_573 : i32
        %get3A_575 = arith.constant 4 : i32
        %get3A_576 = arith.index_cast %get3A_575 : i32 to index
        %get3A_577 = arith.index_cast %mul3A_574 : i32 to index
        %get3A_578 = tpu.vector_load %arg4[%get3A_576, %get3A_577] {strides = array<i32>} : memref<8x4096xf32, #tpu.memory_space<vmem>>, vector<1x16xf32>,
        %get3A_579 = vector.shape_cast %get3A_578 : vector<1x16xf32> to vector<16xf32>
        %add3A_580 = arith.addf %add3A_568, %get3A_579 : vector<16xf32>
        %mul3A_581 = arith.constant 8 : i32
        %mul3A_582 = arith.muli %scan3A_105, %mul3A_581 : i32
        %add3A_583 = arith.constant 7 : i32
        %add3A_584 = arith.addi %mul3A_582, %add3A_583 : i32
        %mul3A_585 = arith.constant 16 : i32
        %mul3A_586 = arith.muli %add3A_584, %mul3A_585 : i32
        %get3A_587 = arith.constant 4 : i32
        %get3A_588 = arith.index_cast %get3A_587 : i32 to index
        %get3A_589 = arith.index_cast %mul3A_586 : i32 to index
        %get3A_590 = tpu.vector_load %arg4[%get3A_588, %get3A_589] {strides = array<i32>} : memref<8x4096xf32, #tpu.memory_space<vmem>>, vector<1x16xf32>,
        %get3A_591 = vector.shape_cast %get3A_590 : vector<1x16xf32> to vector<16xf32>
        %add3A_592 = arith.addf %add3A_580, %get3A_591 : vector<16xf32>
        %mul3A_593 = arith.constant 8 : i32
        %mul3A_594 = arith.muli %scan3A_105, %mul3A_593 : i32
        %add3A_595 = arith.constant 0 : i32
        %add3A_596 = arith.addi %mul3A_594, %add3A_595 : i32
        %mul3A_597 = arith.constant 16 : i32
        %mul3A_598 = arith.muli %add3A_596, %mul3A_597 : i32
        %get3A_599 = arith.constant 5 : i32
        %get3A_600 = arith.index_cast %get3A_599 : i32 to index
        %get3A_601 = arith.index_cast %mul3A_598 : i32 to index
        %get3A_602 = tpu.vector_load %arg4[%get3A_600, %get3A_601] {strides = array<i32>} : memref<8x4096xf32, #tpu.memory_space<vmem>>, vector<1x16xf32>,
        %get3A_603 = vector.shape_cast %get3A_602 : vector<1x16xf32> to vector<16xf32>
        %add3A_604 = arith.addf %scan3A_111, %get3A_603 : vector<16xf32>
        %mul3A_605 = arith.constant 8 : i32
        %mul3A_606 = arith.muli %scan3A_105, %mul3A_605 : i32
        %add3A_607 = arith.constant 1 : i32
        %add3A_608 = arith.addi %mul3A_606, %add3A_607 : i32
        %mul3A_609 = arith.constant 16 : i32
        %mul3A_610 = arith.muli %add3A_608, %mul3A_609 : i32
        %get3A_611 = arith.constant 5 : i32
        %get3A_612 = arith.index_cast %get3A_611 : i32 to index
        %get3A_613 = arith.index_cast %mul3A_610 : i32 to index
        %get3A_614 = tpu.vector_load %arg4[%get3A_612, %get3A_613] {strides = array<i32>} : memref<8x4096xf32, #tpu.memory_space<vmem>>, vector<1x16xf32>,
        %get3A_615 = vector.shape_cast %get3A_614 : vector<1x16xf32> to vector<16xf32>
        %add3A_616 = arith.addf %add3A_604, %get3A_615 : vector<16xf32>
        %mul3A_617 = arith.constant 8 : i32
        %mul3A_618 = arith.muli %scan3A_105, %mul3A_617 : i32
        %add3A_619 = arith.constant 2 : i32
        %add3A_620 = arith.addi %mul3A_618, %add3A_619 : i32
        %mul3A_621 = arith.constant 16 : i32
        %mul3A_622 = arith.muli %add3A_620, %mul3A_621 : i32
        %get3A_623 = arith.constant 5 : i32
        %get3A_624 = arith.index_cast %get3A_623 : i32 to index
        %get3A_625 = arith.index_cast %mul3A_622 : i32 to index
        %get3A_626 = tpu.vector_load %arg4[%get3A_624, %get3A_625] {strides = array<i32>} : memref<8x4096xf32, #tpu.memory_space<vmem>>, vector<1x16xf32>,
        %get3A_627 = vector.shape_cast %get3A_626 : vector<1x16xf32> to vector<16xf32>
        %add3A_628 = arith.addf %add3A_616, %get3A_627 : vector<16xf32>
        %mul3A_629 = arith.constant 8 : i32
        %mul3A_630 = arith.muli %scan3A_105, %mul3A_629 : i32
        %add3A_631 = arith.constant 3 : i32
        %add3A_632 = arith.addi %mul3A_630, %add3A_631 : i32
        %mul3A_633 = arith.constant 16 : i32
        %mul3A_634 = arith.muli %add3A_632, %mul3A_633 : i32
        %get3A_635 = arith.constant 5 : i32
        %get3A_636 = arith.index_cast %get3A_635 : i32 to index
        %get3A_637 = arith.index_cast %mul3A_634 : i32 to index
        %get3A_638 = tpu.vector_load %arg4[%get3A_636, %get3A_637] {strides = array<i32>} : memref<8x4096xf32, #tpu.memory_space<vmem>>, vector<1x16xf32>,
        %get3A_639 = vector.shape_cast %get3A_638 : vector<1x16xf32> to vector<16xf32>
        %add3A_640 = arith.addf %add3A_628, %get3A_639 : vector<16xf32>
        %mul3A_641 = arith.constant 8 : i32
        %mul3A_642 = arith.muli %scan3A_105, %mul3A_641 : i32
        %add3A_643 = arith.constant 4 : i32
        %add3A_644 = arith.addi %mul3A_642, %add3A_643 : i32
        %mul3A_645 = arith.constant 16 : i32
        %mul3A_646 = arith.muli %add3A_644, %mul3A_645 : i32
        %get3A_647 = arith.constant 5 : i32
        %get3A_648 = arith.index_cast %get3A_647 : i32 to index
        %get3A_649 = arith.index_cast %mul3A_646 : i32 to index
        %get3A_650 = tpu.vector_load %arg4[%get3A_648, %get3A_649] {strides = array<i32>} : memref<8x4096xf32, #tpu.memory_space<vmem>>, vector<1x16xf32>,
        %get3A_651 = vector.shape_cast %get3A_650 : vector<1x16xf32> to vector<16xf32>
        %add3A_652 = arith.addf %add3A_640, %get3A_651 : vector<16xf32>
        %mul3A_653 = arith.constant 8 : i32
        %mul3A_654 = arith.muli %scan3A_105, %mul3A_653 : i32
        %add3A_655 = arith.constant 5 : i32
        %add3A_656 = arith.addi %mul3A_654, %add3A_655 : i32
        %mul3A_657 = arith.constant 16 : i32
        %mul3A_658 = arith.muli %add3A_656, %mul3A_657 : i32
        %get3A_659 = arith.constant 5 : i32
        %get3A_660 = arith.index_cast %get3A_659 : i32 to index
        %get3A_661 = arith.index_cast %mul3A_658 : i32 to index
        %get3A_662 = tpu.vector_load %arg4[%get3A_660, %get3A_661] {strides = array<i32>} : memref<8x4096xf32, #tpu.memory_space<vmem>>, vector<1x16xf32>,
        %get3A_663 = vector.shape_cast %get3A_662 : vector<1x16xf32> to vector<16xf32>
        %add3A_664 = arith.addf %add3A_652, %get3A_663 : vector<16xf32>
        %mul3A_665 = arith.constant 8 : i32
        %mul3A_666 = arith.muli %scan3A_105, %mul3A_665 : i32
        %add3A_667 = arith.constant 6 : i32
        %add3A_668 = arith.addi %mul3A_666, %add3A_667 : i32
        %mul3A_669 = arith.constant 16 : i32
        %mul3A_670 = arith.muli %add3A_668, %mul3A_669 : i32
        %get3A_671 = arith.constant 5 : i32
        %get3A_672 = arith.index_cast %get3A_671 : i32 to index
        %get3A_673 = arith.index_cast %mul3A_670 : i32 to index
        %get3A_674 = tpu.vector_load %arg4[%get3A_672, %get3A_673] {strides = array<i32>} : memref<8x4096xf32, #tpu.memory_space<vmem>>, vector<1x16xf32>,
        %get3A_675 = vector.shape_cast %get3A_674 : vector<1x16xf32> to vector<16xf32>
        %add3A_676 = arith.addf %add3A_664, %get3A_675 : vector<16xf32>
        %mul3A_677 = arith.constant 8 : i32
        %mul3A_678 = arith.muli %scan3A_105, %mul3A_677 : i32
        %add3A_679 = arith.constant 7 : i32
        %add3A_680 = arith.addi %mul3A_678, %add3A_679 : i32
        %mul3A_681 = arith.constant 16 : i32
        %mul3A_682 = arith.muli %add3A_680, %mul3A_681 : i32
        %get3A_683 = arith.constant 5 : i32
        %get3A_684 = arith.index_cast %get3A_683 : i32 to index
        %get3A_685 = arith.index_cast %mul3A_682 : i32 to index
        %get3A_686 = tpu.vector_load %arg4[%get3A_684, %get3A_685] {strides = array<i32>} : memref<8x4096xf32, #tpu.memory_space<vmem>>, vector<1x16xf32>,
        %get3A_687 = vector.shape_cast %get3A_686 : vector<1x16xf32> to vector<16xf32>
        %add3A_688 = arith.addf %add3A_676, %get3A_687 : vector<16xf32>
        %mul3A_689 = arith.constant 8 : i32
        %mul3A_690 = arith.muli %scan3A_105, %mul3A_689 : i32
        %add3A_691 = arith.constant 0 : i32
        %add3A_692 = arith.addi %mul3A_690, %add3A_691 : i32
        %mul3A_693 = arith.constant 16 : i32
        %mul3A_694 = arith.muli %add3A_692, %mul3A_693 : i32
        %get3A_695 = arith.constant 6 : i32
        %get3A_696 = arith.index_cast %get3A_695 : i32 to index
        %get3A_697 = arith.index_cast %mul3A_694 : i32 to index
        %get3A_698 = tpu.vector_load %arg4[%get3A_696, %get3A_697] {strides = array<i32>} : memref<8x4096xf32, #tpu.memory_space<vmem>>, vector<1x16xf32>,
        %get3A_699 = vector.shape_cast %get3A_698 : vector<1x16xf32> to vector<16xf32>
        %add3A_700 = arith.addf %scan3A_112, %get3A_699 : vector<16xf32>
        %mul3A_701 = arith.constant 8 : i32
        %mul3A_702 = arith.muli %scan3A_105, %mul3A_701 : i32
        %add3A_703 = arith.constant 1 : i32
        %add3A_704 = arith.addi %mul3A_702, %add3A_703 : i32
        %mul3A_705 = arith.constant 16 : i32
        %mul3A_706 = arith.muli %add3A_704, %mul3A_705 : i32
        %get3A_707 = arith.constant 6 : i32
        %get3A_708 = arith.index_cast %get3A_707 : i32 to index
        %get3A_709 = arith.index_cast %mul3A_706 : i32 to index
        %get3A_710 = tpu.vector_load %arg4[%get3A_708, %get3A_709] {strides = array<i32>} : memref<8x4096xf32, #tpu.memory_space<vmem>>, vector<1x16xf32>,
        %get3A_711 = vector.shape_cast %get3A_710 : vector<1x16xf32> to vector<16xf32>
        %add3A_712 = arith.addf %add3A_700, %get3A_711 : vector<16xf32>
        %mul3A_713 = arith.constant 8 : i32
        %mul3A_714 = arith.muli %scan3A_105, %mul3A_713 : i32
        %add3A_715 = arith.constant 2 : i32
        %add3A_716 = arith.addi %mul3A_714, %add3A_715 : i32
        %mul3A_717 = arith.constant 16 : i32
        %mul3A_718 = arith.muli %add3A_716, %mul3A_717 : i32
        %get3A_719 = arith.constant 6 : i32
        %get3A_720 = arith.index_cast %get3A_719 : i32 to index
        %get3A_721 = arith.index_cast %mul3A_718 : i32 to index
        %get3A_722 = tpu.vector_load %arg4[%get3A_720, %get3A_721] {strides = array<i32>} : memref<8x4096xf32, #tpu.memory_space<vmem>>, vector<1x16xf32>,
        %get3A_723 = vector.shape_cast %get3A_722 : vector<1x16xf32> to vector<16xf32>
        %add3A_724 = arith.addf %add3A_712, %get3A_723 : vector<16xf32>
        %mul3A_725 = arith.constant 8 : i32
        %mul3A_726 = arith.muli %scan3A_105, %mul3A_725 : i32
        %add3A_727 = arith.constant 3 : i32
        %add3A_728 = arith.addi %mul3A_726, %add3A_727 : i32
        %mul3A_729 = arith.constant 16 : i32
        %mul3A_730 = arith.muli %add3A_728, %mul3A_729 : i32
        %get3A_731 = arith.constant 6 : i32
        %get3A_732 = arith.index_cast %get3A_731 : i32 to index
        %get3A_733 = arith.index_cast %mul3A_730 : i32 to index
        %get3A_734 = tpu.vector_load %arg4[%get3A_732, %get3A_733] {strides = array<i32>} : memref<8x4096xf32, #tpu.memory_space<vmem>>, vector<1x16xf32>,
        %get3A_735 = vector.shape_cast %get3A_734 : vector<1x16xf32> to vector<16xf32>
        %add3A_736 = arith.addf %add3A_724, %get3A_735 : vector<16xf32>
        %mul3A_737 = arith.constant 8 : i32
        %mul3A_738 = arith.muli %scan3A_105, %mul3A_737 : i32
        %add3A_739 = arith.constant 4 : i32
        %add3A_740 = arith.addi %mul3A_738, %add3A_739 : i32
        %mul3A_741 = arith.constant 16 : i32
        %mul3A_742 = arith.muli %add3A_740, %mul3A_741 : i32
        %get3A_743 = arith.constant 6 : i32
        %get3A_744 = arith.index_cast %get3A_743 : i32 to index
        %get3A_745 = arith.index_cast %mul3A_742 : i32 to index
        %get3A_746 = tpu.vector_load %arg4[%get3A_744, %get3A_745] {strides = array<i32>} : memref<8x4096xf32, #tpu.memory_space<vmem>>, vector<1x16xf32>,
        %get3A_747 = vector.shape_cast %get3A_746 : vector<1x16xf32> to vector<16xf32>
        %add3A_748 = arith.addf %add3A_736, %get3A_747 : vector<16xf32>
        %mul3A_749 = arith.constant 8 : i32
        %mul3A_750 = arith.muli %scan3A_105, %mul3A_749 : i32
        %add3A_751 = arith.constant 5 : i32
        %add3A_752 = arith.addi %mul3A_750, %add3A_751 : i32
        %mul3A_753 = arith.constant 16 : i32
        %mul3A_754 = arith.muli %add3A_752, %mul3A_753 : i32
        %get3A_755 = arith.constant 6 : i32
        %get3A_756 = arith.index_cast %get3A_755 : i32 to index
        %get3A_757 = arith.index_cast %mul3A_754 : i32 to index
        %get3A_758 = tpu.vector_load %arg4[%get3A_756, %get3A_757] {strides = array<i32>} : memref<8x4096xf32, #tpu.memory_space<vmem>>, vector<1x16xf32>,
        %get3A_759 = vector.shape_cast %get3A_758 : vector<1x16xf32> to vector<16xf32>
        %add3A_760 = arith.addf %add3A_748, %get3A_759 : vector<16xf32>
        %mul3A_761 = arith.constant 8 : i32
        %mul3A_762 = arith.muli %scan3A_105, %mul3A_761 : i32
        %add3A_763 = arith.constant 6 : i32
        %add3A_764 = arith.addi %mul3A_762, %add3A_763 : i32
        %mul3A_765 = arith.constant 16 : i32
        %mul3A_766 = arith.muli %add3A_764, %mul3A_765 : i32
        %get3A_767 = arith.constant 6 : i32
        %get3A_768 = arith.index_cast %get3A_767 : i32 to index
        %get3A_769 = arith.index_cast %mul3A_766 : i32 to index
        %get3A_770 = tpu.vector_load %arg4[%get3A_768, %get3A_769] {strides = array<i32>} : memref<8x4096xf32, #tpu.memory_space<vmem>>, vector<1x16xf32>,
        %get3A_771 = vector.shape_cast %get3A_770 : vector<1x16xf32> to vector<16xf32>
        %add3A_772 = arith.addf %add3A_760, %get3A_771 : vector<16xf32>
        %mul3A_773 = arith.constant 8 : i32
        %mul3A_774 = arith.muli %scan3A_105, %mul3A_773 : i32
        %add3A_775 = arith.constant 7 : i32
        %add3A_776 = arith.addi %mul3A_774, %add3A_775 : i32
        %mul3A_777 = arith.constant 16 : i32
        %mul3A_778 = arith.muli %add3A_776, %mul3A_777 : i32
        %get3A_779 = arith.constant 6 : i32
        %get3A_780 = arith.index_cast %get3A_779 : i32 to index
        %get3A_781 = arith.index_cast %mul3A_778 : i32 to index
        %get3A_782 = tpu.vector_load %arg4[%get3A_780, %get3A_781] {strides = array<i32>} : memref<8x4096xf32, #tpu.memory_space<vmem>>, vector<1x16xf32>,
        %get3A_783 = vector.shape_cast %get3A_782 : vector<1x16xf32> to vector<16xf32>
        %add3A_784 = arith.addf %add3A_772, %get3A_783 : vector<16xf32>
        %mul3A_785 = arith.constant 8 : i32
        %mul3A_786 = arith.muli %scan3A_105, %mul3A_785 : i32
        %add3A_787 = arith.constant 0 : i32
        %add3A_788 = arith.addi %mul3A_786, %add3A_787 : i32
        %mul3A_789 = arith.constant 16 : i32
        %mul3A_790 = arith.muli %add3A_788, %mul3A_789 : i32
        %get3A_791 = arith.constant 7 : i32
        %get3A_792 = arith.index_cast %get3A_791 : i32 to index
        %get3A_793 = arith.index_cast %mul3A_790 : i32 to index
        %get3A_794 = tpu.vector_load %arg4[%get3A_792, %get3A_793] {strides = array<i32>} : memref<8x4096xf32, #tpu.memory_space<vmem>>, vector<1x16xf32>,
        %get3A_795 = vector.shape_cast %get3A_794 : vector<1x16xf32> to vector<16xf32>
        %add3A_796 = arith.addf %scan3A_113, %get3A_795 : vector<16xf32>
        %mul3A_797 = arith.constant 8 : i32
        %mul3A_798 = arith.muli %scan3A_105, %mul3A_797 : i32
        %add3A_799 = arith.constant 1 : i32
        %add3A_800 = arith.addi %mul3A_798, %add3A_799 : i32
        %mul3A_801 = arith.constant 16 : i32
        %mul3A_802 = arith.muli %add3A_800, %mul3A_801 : i32
        %get3A_803 = arith.constant 7 : i32
        %get3A_804 = arith.index_cast %get3A_803 : i32 to index
        %get3A_805 = arith.index_cast %mul3A_802 : i32 to index
        %get3A_806 = tpu.vector_load %arg4[%get3A_804, %get3A_805] {strides = array<i32>} : memref<8x4096xf32, #tpu.memory_space<vmem>>, vector<1x16xf32>,
        %get3A_807 = vector.shape_cast %get3A_806 : vector<1x16xf32> to vector<16xf32>
        %add3A_808 = arith.addf %add3A_796, %get3A_807 : vector<16xf32>
        %mul3A_809 = arith.constant 8 : i32
        %mul3A_810 = arith.muli %scan3A_105, %mul3A_809 : i32
        %add3A_811 = arith.constant 2 : i32
        %add3A_812 = arith.addi %mul3A_810, %add3A_811 : i32
        %mul3A_813 = arith.constant 16 : i32
        %mul3A_814 = arith.muli %add3A_812, %mul3A_813 : i32
        %get3A_815 = arith.constant 7 : i32
        %get3A_816 = arith.index_cast %get3A_815 : i32 to index
        %get3A_817 = arith.index_cast %mul3A_814 : i32 to index
        %get3A_818 = tpu.vector_load %arg4[%get3A_816, %get3A_817] {strides = array<i32>} : memref<8x4096xf32, #tpu.memory_space<vmem>>, vector<1x16xf32>,
        %get3A_819 = vector.shape_cast %get3A_818 : vector<1x16xf32> to vector<16xf32>
        %add3A_820 = arith.addf %add3A_808, %get3A_819 : vector<16xf32>
        %mul3A_821 = arith.constant 8 : i32
        %mul3A_822 = arith.muli %scan3A_105, %mul3A_821 : i32
        %add3A_823 = arith.constant 3 : i32
        %add3A_824 = arith.addi %mul3A_822, %add3A_823 : i32
        %mul3A_825 = arith.constant 16 : i32
        %mul3A_826 = arith.muli %add3A_824, %mul3A_825 : i32
        %get3A_827 = arith.constant 7 : i32
        %get3A_828 = arith.index_cast %get3A_827 : i32 to index
        %get3A_829 = arith.index_cast %mul3A_826 : i32 to index
        %get3A_830 = tpu.vector_load %arg4[%get3A_828, %get3A_829] {strides = array<i32>} : memref<8x4096xf32, #tpu.memory_space<vmem>>, vector<1x16xf32>,
        %get3A_831 = vector.shape_cast %get3A_830 : vector<1x16xf32> to vector<16xf32>
        %add3A_832 = arith.addf %add3A_820, %get3A_831 : vector<16xf32>
        %mul3A_833 = arith.constant 8 : i32
        %mul3A_834 = arith.muli %scan3A_105, %mul3A_833 : i32
        %add3A_835 = arith.constant 4 : i32
        %add3A_836 = arith.addi %mul3A_834, %add3A_835 : i32
        %mul3A_837 = arith.constant 16 : i32
        %mul3A_838 = arith.muli %add3A_836, %mul3A_837 : i32
        %get3A_839 = arith.constant 7 : i32
        %get3A_840 = arith.index_cast %get3A_839 : i32 to index
        %get3A_841 = arith.index_cast %mul3A_838 : i32 to index
        %get3A_842 = tpu.vector_load %arg4[%get3A_840, %get3A_841] {strides = array<i32>} : memref<8x4096xf32, #tpu.memory_space<vmem>>, vector<1x16xf32>,
        %get3A_843 = vector.shape_cast %get3A_842 : vector<1x16xf32> to vector<16xf32>
        %add3A_844 = arith.addf %add3A_832, %get3A_843 : vector<16xf32>
        %mul3A_845 = arith.constant 8 : i32
        %mul3A_846 = arith.muli %scan3A_105, %mul3A_845 : i32
        %add3A_847 = arith.constant 5 : i32
        %add3A_848 = arith.addi %mul3A_846, %add3A_847 : i32
        %mul3A_849 = arith.constant 16 : i32
        %mul3A_850 = arith.muli %add3A_848, %mul3A_849 : i32
        %get3A_851 = arith.constant 7 : i32
        %get3A_852 = arith.index_cast %get3A_851 : i32 to index
        %get3A_853 = arith.index_cast %mul3A_850 : i32 to index
        %get3A_854 = tpu.vector_load %arg4[%get3A_852, %get3A_853] {strides = array<i32>} : memref<8x4096xf32, #tpu.memory_space<vmem>>, vector<1x16xf32>,
        %get3A_855 = vector.shape_cast %get3A_854 : vector<1x16xf32> to vector<16xf32>
        %add3A_856 = arith.addf %add3A_844, %get3A_855 : vector<16xf32>
        %mul3A_857 = arith.constant 8 : i32
        %mul3A_858 = arith.muli %scan3A_105, %mul3A_857 : i32
        %add3A_859 = arith.constant 6 : i32
        %add3A_860 = arith.addi %mul3A_858, %add3A_859 : i32
        %mul3A_861 = arith.constant 16 : i32
        %mul3A_862 = arith.muli %add3A_860, %mul3A_861 : i32
        %get3A_863 = arith.constant 7 : i32
        %get3A_864 = arith.index_cast %get3A_863 : i32 to index
        %get3A_865 = arith.index_cast %mul3A_862 : i32 to index
        %get3A_866 = tpu.vector_load %arg4[%get3A_864, %get3A_865] {strides = array<i32>} : memref<8x4096xf32, #tpu.memory_space<vmem>>, vector<1x16xf32>,
        %get3A_867 = vector.shape_cast %get3A_866 : vector<1x16xf32> to vector<16xf32>
        %add3A_868 = arith.addf %add3A_856, %get3A_867 : vector<16xf32>
        %mul3A_869 = arith.constant 8 : i32
        %mul3A_870 = arith.muli %scan3A_105, %mul3A_869 : i32
        %add3A_871 = arith.constant 7 : i32
        %add3A_872 = arith.addi %mul3A_870, %add3A_871 : i32
        %mul3A_873 = arith.constant 16 : i32
        %mul3A_874 = arith.muli %add3A_872, %mul3A_873 : i32
        %get3A_875 = arith.constant 7 : i32
        %get3A_876 = arith.index_cast %get3A_875 : i32 to index
        %get3A_877 = arith.index_cast %mul3A_874 : i32 to index
        %get3A_878 = tpu.vector_load %arg4[%get3A_876, %get3A_877] {strides = array<i32>} : memref<8x4096xf32, #tpu.memory_space<vmem>>, vector<1x16xf32>,
        %get3A_879 = vector.shape_cast %get3A_878 : vector<1x16xf32> to vector<16xf32>
        %add3A_880 = arith.addf %add3A_868, %get3A_879 : vector<16xf32>
        scf.yield %add3A_208, %add3A_304, %add3A_400, %add3A_496, %add3A_592, %add3A_688, %add3A_784, %add3A_880 : vector<16xf32>, vector<16xf32>, vector<16xf32>, vector<16xf32>, vector<16xf32>, vector<16xf32>, vector<16xf32>, vector<16xf32>
      }
      %scan3A_57 = arith.constant 32 : i32
      %swap3A = arith.constant 0 : i32
      %swap3A_58 = arith.index_cast %swap3A : i32 to index
      %swap3A_59 = arith.constant 0 : index
      %swap3A_60 = tpu.vector_load %arg5[%swap3A_58, %swap3A_59] {strides = array<i32>} : memref<8x16xf32, #tpu.memory_space<vmem>>, vector<1x16xf32>,
      %swap3A_61 = vector.shape_cast %swap3A_60 : vector<1x16xf32> to vector<16xf32>
      %swap3A_62 = vector.shape_cast %scan3A_56#0 : vector<16xf32> to vector<1x16xf32>
      tpu.vector_store %arg5[%swap3A_58, %swap3A_59], %swap3A_62 {strides = array<i32>} : memref<8x16xf32, #tpu.memory_space<vmem>>, vector<1x16xf32>,
      %swap3A_63 = arith.constant 1 : i32
      %swap3A_64 = arith.index_cast %swap3A_63 : i32 to index
      %swap3A_65 = arith.constant 0 : index
      %swap3A_66 = tpu.vector_load %arg5[%swap3A_64, %swap3A_65] {strides = array<i32>} : memref<8x16xf32, #tpu.memory_space<vmem>>, vector<1x16xf32>,
      %swap3A_67 = vector.shape_cast %swap3A_66 : vector<1x16xf32> to vector<16xf32>
      %swap3A_68 = vector.shape_cast %scan3A_56#1 : vector<16xf32> to vector<1x16xf32>
      tpu.vector_store %arg5[%swap3A_64, %swap3A_65], %swap3A_68 {strides = array<i32>} : memref<8x16xf32, #tpu.memory_space<vmem>>, vector<1x16xf32>,
      %swap3A_69 = arith.constant 2 : i32
      %swap3A_70 = arith.index_cast %swap3A_69 : i32 to index
      %swap3A_71 = arith.constant 0 : index
      %swap3A_72 = tpu.vector_load %arg5[%swap3A_70, %swap3A_71] {strides = array<i32>} : memref<8x16xf32, #tpu.memory_space<vmem>>, vector<1x16xf32>,
      %swap3A_73 = vector.shape_cast %swap3A_72 : vector<1x16xf32> to vector<16xf32>
      %swap3A_74 = vector.shape_cast %scan3A_56#2 : vector<16xf32> to vector<1x16xf32>
      tpu.vector_store %arg5[%swap3A_70, %swap3A_71], %swap3A_74 {strides = array<i32>} : memref<8x16xf32, #tpu.memory_space<vmem>>, vector<1x16xf32>,
      %swap3A_75 = arith.constant 3 : i32
      %swap3A_76 = arith.index_cast %swap3A_75 : i32 to index
      %swap3A_77 = arith.constant 0 : index
      %swap3A_78 = tpu.vector_load %arg5[%swap3A_76, %swap3A_77] {strides = array<i32>} : memref<8x16xf32, #tpu.memory_space<vmem>>, vector<1x16xf32>,
      %swap3A_79 = vector.shape_cast %swap3A_78 : vector<1x16xf32> to vector<16xf32>
      %swap3A_80 = vector.shape_cast %scan3A_56#3 : vector<16xf32> to vector<1x16xf32>
      tpu.vector_store %arg5[%swap3A_76, %swap3A_77], %swap3A_80 {strides = array<i32>} : memref<8x16xf32, #tpu.memory_space<vmem>>, vector<1x16xf32>,
      %swap3A_81 = arith.constant 4 : i32
      %swap3A_82 = arith.index_cast %swap3A_81 : i32 to index
      %swap3A_83 = arith.constant 0 : index
      %swap3A_84 = tpu.vector_load %arg5[%swap3A_82, %swap3A_83] {strides = array<i32>} : memref<8x16xf32, #tpu.memory_space<vmem>>, vector<1x16xf32>,
      %swap3A_85 = vector.shape_cast %swap3A_84 : vector<1x16xf32> to vector<16xf32>
      %swap3A_86 = vector.shape_cast %scan3A_56#4 : vector<16xf32> to vector<1x16xf32>
      tpu.vector_store %arg5[%swap3A_82, %swap3A_83], %swap3A_86 {strides = array<i32>} : memref<8x16xf32, #tpu.memory_space<vmem>>, vector<1x16xf32>,
      %swap3A_87 = arith.constant 5 : i32
      %swap3A_88 = arith.index_cast %swap3A_87 : i32 to index
      %swap3A_89 = arith.constant 0 : index
      %swap3A_90 = tpu.vector_load %arg5[%swap3A_88, %swap3A_89] {strides = array<i32>} : memref<8x16xf32, #tpu.memory_space<vmem>>, vector<1x16xf32>,
      %swap3A_91 = vector.shape_cast %swap3A_90 : vector<1x16xf32> to vector<16xf32>
      %swap3A_92 = vector.shape_cast %scan3A_56#5 : vector<16xf32> to vector<1x16xf32>
      tpu.vector_store %arg5[%swap3A_88, %swap3A_89], %swap3A_92 {strides = array<i32>} : memref<8x16xf32, #tpu.memory_space<vmem>>, vector<1x16xf32>,
      %swap3A_93 = arith.constant 6 : i32
      %swap3A_94 = arith.index_cast %swap3A_93 : i32 to index
      %swap3A_95 = arith.constant 0 : index
      %swap3A_96 = tpu.vector_load %arg5[%swap3A_94, %swap3A_95] {strides = array<i32>} : memref<8x16xf32, #tpu.memory_space<vmem>>, vector<1x16xf32>,
      %swap3A_97 = vector.shape_cast %swap3A_96 : vector<1x16xf32> to vector<16xf32>
      %swap3A_98 = vector.shape_cast %scan3A_56#6 : vector<16xf32> to vector<1x16xf32>
      tpu.vector_store %arg5[%swap3A_94, %swap3A_95], %swap3A_98 {strides = array<i32>} : memref<8x16xf32, #tpu.memory_space<vmem>>, vector<1x16xf32>,
      %swap3A_99 = arith.constant 7 : i32
      %swap3A_100 = arith.index_cast %swap3A_99 : i32 to index
      %swap3A_101 = arith.constant 0 : index
      %swap3A_102 = tpu.vector_load %arg5[%swap3A_100, %swap3A_101] {strides = array<i32>} : memref<8x16xf32, #tpu.memory_space<vmem>>, vector<1x16xf32>,
      %swap3A_103 = vector.shape_cast %swap3A_102 : vector<1x16xf32> to vector<16xf32>
      %swap3A_104 = vector.shape_cast %scan3A_56#7 : vector<16xf32> to vector<1x16xf32>
      tpu.vector_store %arg5[%swap3A_100, %swap3A_101], %swap3A_104 {strides = array<i32>} : memref<8x16xf32, #tpu.memory_space<vmem>>, vector<1x16xf32>,
      "tpu.region"() ({
        %run_scoped3A = tpu.sem_alloc : memref<!tpu.dma_semaphore, #tpu.memory_space<semaphore_mem>>
        %dma_start3A = arith.constant 0 : i32
        %dma_start3A_105 = arith.constant 0 : i32
        %dma_start3A_106 = tpu.memref_slice %arg3[%add3A, %dma_start3A, %dma_start3A_105] : memref<30x8x16xf32, #tpu.memory_space<hbm>> -> memref<1x8x16xf32, #tpu.memory_space<hbm>>
        %dma_start3A_107 = tpu.memref_squeeze %dma_start3A_106 : memref<1x8x16xf32, #tpu.memory_space<hbm>> -> memref<8x16xf32, #tpu.memory_space<hbm>>
        %dma_start3A_108 = arith.constant 0 : i32
        %dma_start3A_109 = arith.constant 0 : i32
        %dma_start3A_110 = tpu.memref_slice %arg3[%add3A, %dma_start3A_108, %dma_start3A_109] : memref<30x8x16xf32, #tpu.memory_space<hbm>> -> memref<1x8x16xf32, #tpu.memory_space<hbm>>
        %dma_start3A_111 = tpu.memref_squeeze %dma_start3A_110 : memref<1x8x16xf32, #tpu.memory_space<hbm>> -> memref<8x16xf32, #tpu.memory_space<hbm>>
        tpu.enqueue_dma source(%arg5 : memref<8x16xf32, #tpu.memory_space<vmem>>) target(%dma_start3A_111 : memref<8x16xf32, #tpu.memory_space<hbm>>) target_semaphore(%run_scoped3A : memref<!tpu.dma_semaphore, #tpu.memory_space<semaphore_mem>>)
        %dma_wait3A = arith.constant 0 : i32
        %dma_wait3A_112 = arith.constant 0 : i32
        %dma_wait3A_113 = tpu.memref_slice %arg3[%add3A, %dma_wait3A, %dma_wait3A_112] : memref<30x8x16xf32, #tpu.memory_space<hbm>> -> memref<1x8x16xf32, #tpu.memory_space<hbm>>
        %dma_wait3A_114 = tpu.memref_squeeze %dma_wait3A_113 : memref<1x8x16xf32, #tpu.memory_space<hbm>> -> memref<8x16xf32, #tpu.memory_space<hbm>>
        %dma_wait3A_115 = arith.constant 0 : i32
        %dma_wait3A_116 = arith.constant 0 : i32
        %dma_wait3A_117 = tpu.memref_slice %arg3[%add3A, %dma_wait3A_115, %dma_wait3A_116] : memref<30x8x16xf32, #tpu.memory_space<hbm>> -> memref<1x8x16xf32, #tpu.memory_space<hbm>>
        %dma_wait3A_118 = tpu.memref_squeeze %dma_wait3A_117 : memref<1x8x16xf32, #tpu.memory_space<hbm>> -> memref<8x16xf32, #tpu.memory_space<hbm>>
        tpu.wait_dma2 semaphore(%run_scoped3A : memref<!tpu.dma_semaphore, #tpu.memory_space<semaphore_mem>>) src(%arg5 : memref<8x16xf32, #tpu.memory_space<vmem>>) dst(%dma_wait3A_118 : memref<8x16xf32, #tpu.memory_space<hbm>>)
        tpu.yield
      }) : () -> ()
    } else {
    }
    return
  }
}

module attributes {stable_mosaic.version = 14 : i64} {
  func.func @_tc_combine_body(%arg0: i32, %arg1: memref<30x8x16xf32, #tpu.memory_space<vmem>>, %arg2: memref<3x8x4096xf32, #tpu.memory_space<vmem>>, %arg3: memref<8x33x510xf32, #tpu.memory_space<vmem>>, %arg4: memref<510xf32, #tpu.memory_space<vmem>>) attributes {dimension_semantics = [#tpu.dimension_semantics<arbitrary>], iteration_bounds = array<i64: 1>, scalar_prefetch = 0 : i64, scratch_operands = 0 : i64, tpu.core_type = #tpu.core_type<tc>, window_params = [{pipeline_mode = #tpu.pipeline_mode<synchronous>, transform_indices = @transform_0, window_bounds = array<i64: 30, 8, 16>}, {transform_indices = @transform_1, window_bounds = array<i64: 3, 8, 4096>}, {pipeline_mode = #tpu.pipeline_mode<synchronous>, transform_indices = @transform_2, window_bounds = array<i64: 8, 33, 510>}, {pipeline_mode = #tpu.pipeline_mode<synchronous>, transform_indices = @transform_3, window_bounds = array<i64: 510>}]} {
    %get3A = arith.constant 0 : index
    %get3A_0 = arith.constant 0 : index
    %get3A_1 = arith.constant 0 : index
    %get3A_2 = vector.load %arg1[%get3A, %get3A_0, %get3A_1] : memref<30x8x16xf32, #tpu.memory_space<vmem>>, vector<30x8x16xf32>
    %reduce_sum3A = arith.constant dense<0.000000e+00> : vector<30x8xf32>
    %reduce_sum3A_3 = vector.multi_reduction <add>, %get3A_2, %reduce_sum3A [2] : vector<30x8x16xf32> to vector<30x8xf32>
    %get3A_4 = arith.constant 0 : index
    %get3A_5 = arith.constant 0 : index
    %get3A_6 = arith.constant 0 : index
    %get3A_7 = vector.load %arg2[%get3A_4, %get3A_5, %get3A_6] : memref<3x8x4096xf32, #tpu.memory_space<vmem>>, vector<3x8x4096xf32>
    %reduce_sum3A_8 = arith.constant dense<0.000000e+00> : vector<3x8xf32>
    %reduce_sum3A_9 = vector.multi_reduction <add>, %get3A_7, %reduce_sum3A_8 [2] : vector<3x8x4096xf32> to vector<3x8xf32>
    %iota3A = tpu.iota {dimensions = array<i32: 1>} : vector<3x8xi32>
    %lt3A = arith.constant 7 : i32
    %lt3A_10 = vector.broadcast %lt3A : i32 to vector<3x8xi32>
    %lt3A_11 = arith.cmpi slt, %iota3A, %lt3A_10 : vector<3x8xi32>
    %jit3A = arith.constant 0.000000e+00 : f32
    %broadcast_in_dim3A = vector.broadcast %jit3A : f32 to vector<3x8xf32>
    %select_n3A = arith.select %lt3A_11, %reduce_sum3A_9, %broadcast_in_dim3A : vector<3x8xi1>, vector<3x8xf32>
    %transpose3A = tpu.transpose %reduce_sum3A_3, [1, 0] : vector<30x8xf32> -> vector<8x30xf32>
    %transpose3A_12 = tpu.transpose %select_n3A, [1, 0] : vector<3x8xf32> -> vector<8x3xf32>
    %concatenate3A = tpu.concatenate %transpose3A, %transpose3A_12 in 1 : vector<8x30xf32>, vector<8x3xf32> -> vector<8x33xf32>
    %mul3A = arith.constant 2.44140625E-4 : f32
    %mul3A_13 = vector.broadcast %mul3A : f32 to vector<8x33xf32>
    %mul3A_14 = arith.mulf %concatenate3A, %mul3A_13 : vector<8x33xf32>
    %ne3A = arith.cmpf one, %mul3A_14, %mul3A_14 : vector<8x33xf32>
    %jit3A_15 = arith.constant 0.000000e+00 : f32
    %broadcast_in_dim3A_16 = vector.broadcast %jit3A_15 : f32 to vector<8x33xf32>
    %select_n3A_17 = arith.select %ne3A, %broadcast_in_dim3A_16, %mul3A_14 : vector<8x33xi1>, vector<8x33xf32>
    %broadcast_in_dim3A_18 = arith.constant 0.000000e+00 : f32
    %broadcast_in_dim3A_19 = vector.broadcast %broadcast_in_dim3A_18 : f32 to vector<1x510xf32>
    %slice3A = vector.extract_strided_slice %select_n3A_17 {offsets = [0, 0], sizes = [1, 33], strides = [1, 1]} : vector<8x33xf32> to vector<1x33xf32>
    %get3A_20 = arith.constant 0 : index
    %get3A_21 = arith.constant 0 : index
    %get3A_22 = arith.constant 0 : index
    %get3A_23 = vector.load %arg3[%get3A_20, %get3A_21, %get3A_22] : memref<8x33x510xf32, #tpu.memory_space<vmem>>, vector<1x33x510xf32>
    %get3A_24 = vector.shape_cast %get3A_23 : vector<1x33x510xf32> to vector<33x510xf32>
    %dot_general3A = arith.constant dense<0.000000e+00> : vector<1x510xf32>
    %dot_general3A_25 = tpu.matmul %slice3A, %get3A_24, %dot_general3A {dimension_numbers = #tpu.dot_dimension_numbers<[1], [0], [0], [1], [0, 0, 1, 1], [], []>, precision = #tpu.contract_precision<fp32>, transpose_lhs_hint = false} : vector<1x33xf32>, vector<33x510xf32>, vector<1x510xf32> -> vector<1x510xf32>
    %add3A = arith.addf %broadcast_in_dim3A_19, %dot_general3A_25 : vector<1x510xf32>
    %slice3A_26 = vector.extract_strided_slice %select_n3A_17 {offsets = [1, 0], sizes = [1, 33], strides = [1, 1]} : vector<8x33xf32> to vector<1x33xf32>
    %get3A_27 = arith.constant 1 : index
    %get3A_28 = arith.constant 0 : index
    %get3A_29 = arith.constant 0 : index
    %get3A_30 = vector.load %arg3[%get3A_27, %get3A_28, %get3A_29] : memref<8x33x510xf32, #tpu.memory_space<vmem>>, vector<1x33x510xf32>
    %get3A_31 = vector.shape_cast %get3A_30 : vector<1x33x510xf32> to vector<33x510xf32>
    %dot_general3A_32 = arith.constant dense<0.000000e+00> : vector<1x510xf32>
    %dot_general3A_33 = tpu.matmul %slice3A_26, %get3A_31, %dot_general3A_32 {dimension_numbers = #tpu.dot_dimension_numbers<[1], [0], [0], [1], [0, 0, 1, 1], [], []>, precision = #tpu.contract_precision<fp32>, transpose_lhs_hint = false} : vector<1x33xf32>, vector<33x510xf32>, vector<1x510xf32> -> vector<1x510xf32>
    %add3A_34 = arith.addf %add3A, %dot_general3A_33 : vector<1x510xf32>
    %slice3A_35 = vector.extract_strided_slice %select_n3A_17 {offsets = [2, 0], sizes = [1, 33], strides = [1, 1]} : vector<8x33xf32> to vector<1x33xf32>
    %get3A_36 = arith.constant 2 : index
    %get3A_37 = arith.constant 0 : index
    %get3A_38 = arith.constant 0 : index
    %get3A_39 = vector.load %arg3[%get3A_36, %get3A_37, %get3A_38] : memref<8x33x510xf32, #tpu.memory_space<vmem>>, vector<1x33x510xf32>
    %get3A_40 = vector.shape_cast %get3A_39 : vector<1x33x510xf32> to vector<33x510xf32>
    %dot_general3A_41 = arith.constant dense<0.000000e+00> : vector<1x510xf32>
    %dot_general3A_42 = tpu.matmul %slice3A_35, %get3A_40, %dot_general3A_41 {dimension_numbers = #tpu.dot_dimension_numbers<[1], [0], [0], [1], [0, 0, 1, 1], [], []>, precision = #tpu.contract_precision<fp32>, transpose_lhs_hint = false} : vector<1x33xf32>, vector<33x510xf32>, vector<1x510xf32> -> vector<1x510xf32>
    %add3A_43 = arith.addf %add3A_34, %dot_general3A_42 : vector<1x510xf32>
    %slice3A_44 = vector.extract_strided_slice %select_n3A_17 {offsets = [3, 0], sizes = [1, 33], strides = [1, 1]} : vector<8x33xf32> to vector<1x33xf32>
    %get3A_45 = arith.constant 3 : index
    %get3A_46 = arith.constant 0 : index
    %get3A_47 = arith.constant 0 : index
    %get3A_48 = vector.load %arg3[%get3A_45, %get3A_46, %get3A_47] : memref<8x33x510xf32, #tpu.memory_space<vmem>>, vector<1x33x510xf32>
    %get3A_49 = vector.shape_cast %get3A_48 : vector<1x33x510xf32> to vector<33x510xf32>
    %dot_general3A_50 = arith.constant dense<0.000000e+00> : vector<1x510xf32>
    %dot_general3A_51 = tpu.matmul %slice3A_44, %get3A_49, %dot_general3A_50 {dimension_numbers = #tpu.dot_dimension_numbers<[1], [0], [0], [1], [0, 0, 1, 1], [], []>, precision = #tpu.contract_precision<fp32>, transpose_lhs_hint = false} : vector<1x33xf32>, vector<33x510xf32>, vector<1x510xf32> -> vector<1x510xf32>
    %add3A_52 = arith.addf %add3A_43, %dot_general3A_51 : vector<1x510xf32>
    %slice3A_53 = vector.extract_strided_slice %select_n3A_17 {offsets = [4, 0], sizes = [1, 33], strides = [1, 1]} : vector<8x33xf32> to vector<1x33xf32>
    %get3A_54 = arith.constant 4 : index
    %get3A_55 = arith.constant 0 : index
    %get3A_56 = arith.constant 0 : index
    %get3A_57 = vector.load %arg3[%get3A_54, %get3A_55, %get3A_56] : memref<8x33x510xf32, #tpu.memory_space<vmem>>, vector<1x33x510xf32>
    %get3A_58 = vector.shape_cast %get3A_57 : vector<1x33x510xf32> to vector<33x510xf32>
    %dot_general3A_59 = arith.constant dense<0.000000e+00> : vector<1x510xf32>
    %dot_general3A_60 = tpu.matmul %slice3A_53, %get3A_58, %dot_general3A_59 {dimension_numbers = #tpu.dot_dimension_numbers<[1], [0], [0], [1], [0, 0, 1, 1], [], []>, precision = #tpu.contract_precision<fp32>, transpose_lhs_hint = false} : vector<1x33xf32>, vector<33x510xf32>, vector<1x510xf32> -> vector<1x510xf32>
    %add3A_61 = arith.addf %add3A_52, %dot_general3A_60 : vector<1x510xf32>
    %slice3A_62 = vector.extract_strided_slice %select_n3A_17 {offsets = [5, 0], sizes = [1, 33], strides = [1, 1]} : vector<8x33xf32> to vector<1x33xf32>
    %get3A_63 = arith.constant 5 : index
    %get3A_64 = arith.constant 0 : index
    %get3A_65 = arith.constant 0 : index
    %get3A_66 = vector.load %arg3[%get3A_63, %get3A_64, %get3A_65] : memref<8x33x510xf32, #tpu.memory_space<vmem>>, vector<1x33x510xf32>
    %get3A_67 = vector.shape_cast %get3A_66 : vector<1x33x510xf32> to vector<33x510xf32>
    %dot_general3A_68 = arith.constant dense<0.000000e+00> : vector<1x510xf32>
    %dot_general3A_69 = tpu.matmul %slice3A_62, %get3A_67, %dot_general3A_68 {dimension_numbers = #tpu.dot_dimension_numbers<[1], [0], [0], [1], [0, 0, 1, 1], [], []>, precision = #tpu.contract_precision<fp32>, transpose_lhs_hint = false} : vector<1x33xf32>, vector<33x510xf32>, vector<1x510xf32> -> vector<1x510xf32>
    %add3A_70 = arith.addf %add3A_61, %dot_general3A_69 : vector<1x510xf32>
    %slice3A_71 = vector.extract_strided_slice %select_n3A_17 {offsets = [6, 0], sizes = [1, 33], strides = [1, 1]} : vector<8x33xf32> to vector<1x33xf32>
    %get3A_72 = arith.constant 6 : index
    %get3A_73 = arith.constant 0 : index
    %get3A_74 = arith.constant 0 : index
    %get3A_75 = vector.load %arg3[%get3A_72, %get3A_73, %get3A_74] : memref<8x33x510xf32, #tpu.memory_space<vmem>>, vector<1x33x510xf32>
    %get3A_76 = vector.shape_cast %get3A_75 : vector<1x33x510xf32> to vector<33x510xf32>
    %dot_general3A_77 = arith.constant dense<0.000000e+00> : vector<1x510xf32>
    %dot_general3A_78 = tpu.matmul %slice3A_71, %get3A_76, %dot_general3A_77 {dimension_numbers = #tpu.dot_dimension_numbers<[1], [0], [0], [1], [0, 0, 1, 1], [], []>, precision = #tpu.contract_precision<fp32>, transpose_lhs_hint = false} : vector<1x33xf32>, vector<33x510xf32>, vector<1x510xf32> -> vector<1x510xf32>
    %add3A_79 = arith.addf %add3A_70, %dot_general3A_78 : vector<1x510xf32>
    %slice3A_80 = vector.extract_strided_slice %select_n3A_17 {offsets = [7, 0], sizes = [1, 33], strides = [1, 1]} : vector<8x33xf32> to vector<1x33xf32>
    %get3A_81 = arith.constant 7 : index
    %get3A_82 = arith.constant 0 : index
    %get3A_83 = arith.constant 0 : index
    %get3A_84 = vector.load %arg3[%get3A_81, %get3A_82, %get3A_83] : memref<8x33x510xf32, #tpu.memory_space<vmem>>, vector<1x33x510xf32>
    %get3A_85 = vector.shape_cast %get3A_84 : vector<1x33x510xf32> to vector<33x510xf32>
    %dot_general3A_86 = arith.constant dense<0.000000e+00> : vector<1x510xf32>
    %dot_general3A_87 = tpu.matmul %slice3A_80, %get3A_85, %dot_general3A_86 {dimension_numbers = #tpu.dot_dimension_numbers<[1], [0], [0], [1], [0, 0, 1, 1], [], []>, precision = #tpu.contract_precision<fp32>, transpose_lhs_hint = false} : vector<1x33xf32>, vector<33x510xf32>, vector<1x510xf32> -> vector<1x510xf32>
    %add3A_88 = arith.addf %add3A_79, %dot_general3A_87 : vector<1x510xf32>
    %squeeze3A = vector.shape_cast %add3A_88 : vector<1x510xf32> to vector<510xf32>
    %swap3A = arith.constant 0 : index
    %swap3A_89 = vector.load %arg4[%swap3A] : memref<510xf32, #tpu.memory_space<vmem>>, vector<510xf32>
    tpu.vector_store %arg4[%swap3A], %squeeze3A {strides = array<i32>} : memref<510xf32, #tpu.memory_space<vmem>>, vector<510xf32>,
    return
  }
  func.func @transform_0(%arg0: i32) -> (i32, i32, i32) {
    %c0_i32 = arith.constant 0 : i32
    %c0_i32_0 = arith.constant 0 : i32
    %c0_i32_1 = arith.constant 0 : i32
    %c0_i32_2 = arith.constant 0 : i32
    return %c0_i32, %c0_i32_0, %c0_i32_1 : i32, i32, i32
  }
  func.func @transform_1(%arg0: i32) -> (i32, i32, i32) {
    %c0_i32 = arith.constant 0 : i32
    %c67_i32 = arith.constant 67 : i32
    %c0_i32_0 = arith.constant 0 : i32
    %c0_i32_1 = arith.constant 0 : i32
    return %c0_i32, %c67_i32, %c0_i32_0 : i32, i32, i32
  }
  func.func @transform_2(%arg0: i32) -> (i32, i32, i32) {
    %c0_i32 = arith.constant 0 : i32
    %c0_i32_0 = arith.constant 0 : i32
    %c0_i32_1 = arith.constant 0 : i32
    %c0_i32_2 = arith.constant 0 : i32
    return %c0_i32, %c0_i32_0, %c0_i32_1 : i32, i32, i32
  }
  func.func @transform_3(%arg0: i32) -> i32 {
    %c0_i32 = arith.constant 0 : i32
    %c0_i32_0 = arith.constant 0 : i32
    return %c0_i32 : i32
  }
}

</mosaic_0001>

<sc_bundles>
// kernel: kernel.4.cloned.1.call-start
scs
__scs_entry_jumppad:
0x0: {  	(pc) =	sbr.rel $0x88, $3  }
0x1: {  	(tag) =	ssettag $0x0;
	lr =	simm.s32 $0x1  }
0x2: {  	[smem:$0x3FA0] =	sst lr;
	_ =	strace $0xD0000000  }
0x3: {  	_ = 	snop  }
0x4: {  	_ = 	snop  }
0x5: {  	_ = 	snop  }
0x6: {  	_ = 	snop  }
0x7: {  	_ = 	snop  }
__scs_overlays_trampoline_lowered:
0x8: {  	[smem:$0x3FAF] =	sst s0  }
0x9: {  	[smem:$0x3FB0] =	sst s1  }
0xa: {  	[smem:$0x3FB1] =	sst s2  }
0xb: {  	[smem:$0x3FB2] =	sst s3  }
0xc: {  	[smem:$0x3FB3] =	sst s4  }
0xd: {  	[smem:$0x3FB4] =	sst s5  }
0xe: {  	[smem:$0x3FB5] =	sst s6  }
0xf: {  	[smem:$0x3FB6] =	sst s7  }
0x10: {  	[smem:$0x3FB7] =	sst s8  }
0x11: {  	[smem:$0x3FB8] =	sst s9;
	s0 =	simm.s32 @!p0 $0x0  }
0x12: {  	s1 =	sld [smem:$0x3F9E];
	s0 =	simm.s32 @p0 $0x1  }
0x13: {  	[smem:$0x3FB9] =	sst s0;
	s0 =	simm.s32 @!p1 $0x0  }
0x14: {  	s2 =	sld [smem:$0x3F9D];
	s0 =	simm.s32 @p1 $0x1  }
0x15: {  	[smem:$0x3FBA] =	sst s0;
	s0 =	simm.s32 @!p2 $0x0  }
0x16: {  	s3 =	sld [smem:$0x3FDB];
	s0 =	simm.s32 @p2 $0x1  }
0x17: {  	s4 =	simm.s32 $0x1BF5;
	[smem:$0x3FBC] =	sst s0  }
0x18: {  	s0 =	sld [smem:$0x3F9F];
	_ =	swait.ge [sflag:s4], $0x0  }
0x19: {  	s7 =	sld [smem:$0x3FA0]  }
0x1a: {  	s8 =	sadd.s32 $0xFFFFE003, lr  }
0x1b: {  	s9 =	sadd.s32 $0xFFFFFEF7, lr;
	s5 =	simm.s32 $0xFFFFFFFF;
	p2 =	slt.u32 s8, $0xFFFFF086  }
0x1c: {  	p1 =	slt.u32 s9, $0xF7A;
	s5 =	simm.s32 @!p2 $0x0  }
0x1d: {  	s5 =	simm.s32 @p1 $0x1;
	p0 =	seq.s32 s7, s2  }
0x1e: {  	s7 =	smul.u32 @!p0 $0xF7A, s2;
	p2 =	seq.s32 @!p0 s5, $0x0  }
0x1f: {  	s9 =	smul.u32 $0xF7A, s1;
	s8 =	simm.s32 @!p0 $0x1BF5;
	p2 =	por !p2, p0  }
0x20: {  	[sflag:s8] =	ssyncset.s32 @!p0 $0xFFFFF086;
	s6 =	sadd.s32 @!p0 s3, s7;
	s7 =	simm.s32 @!p0 $0x108  }
0x21: {  	s3 =	sadd.s32 s3, s9;
	s6 =	sadd.s32 @!p0 $0x88, s6;
	s7 =	simm.s32 @p2 $0x1082  }
0x22: {  	[simem:s7], [sflag:s8] =	dma.local @!p0 [hbm:s6], $0xF7A  }
0x23: {  	s9 =	sor.u32 $0xD0000000, s2;
	s6 =	simm.s32 $0x108;
	_ =	swait.ge @!p0 [sflag:s8], $0x0  }
0x24: {  	s3 =	sadd.s32 $0x88, s3;
	s6 =	simm.s32 @!p1 $0x1082;
	[sflag:s4] =	ssyncset.s32 $0xFFFFF086  }
0x25: {  	[simem:s6], [sflag:s4] =	dma.local [hbm:s3], $0xF7A  }
0x26: {  	[smem:$0x3FA0] =	sst s1;
	(tag) =	ssettag s2;
	_ =	strace s9  }
0x27: {  	s1 =	sld [smem:$0x3FB0]  }
0x28: {  	s2 =	sld [smem:$0x3FB1]  }
0x29: {  	s4 =	sld [smem:$0x3FB3]  }
0x2a: {  	p0 =	seq.s32 s5, $0x0;
	s5 =	sld [smem:$0x3FB4]  }
0x2b: {  	s6 =	sld [smem:$0x3FB5]  }
0x2c: {  	s7 =	sld [smem:$0x3FB6]  }
0x2d: {  	s3 =	simm.s32 $0x108;
	s8 =	sld [smem:$0x3FB7]  }
0x2e: {  	s3 =	simm.s32 @!p0 $0x1082;
	s9 =	sld [smem:$0x3FB8]  }
0x2f: {  	lr =	sadd.s32 s0, s3;
	s0 =	sld [smem:$0x3FAF]  }
0x30: {  	s3 =	sld [smem:$0x3FB2]  }
0x31: {  	[smem:$0x3FBB] =	sst s10  }
0x32: {  	s10 =	sld [smem:$0x3FB9];
	_ =	sdelay $0x3  }
0x33: {  	p0 =	seq.s32 s10, $0x1;
	s10 =	sld [smem:$0x3FBB];
	_ =	sdelay $0x3  }
0x34: {  	[smem:$0x3FBB] =	sst s10  }
0x35: {  	s10 =	sld [smem:$0x3FBA];
	_ =	sdelay $0x3  }
0x36: {  	p1 =	seq.s32 s10, $0x1;
	s10 =	sld [smem:$0x3FBB];
	_ =	sdelay $0x3  }
0x37: {  	[smem:$0x3FBB] =	sst s10  }
0x38: {  	s10 =	sld [smem:$0x3FBC]  }
0x39: {  	_ = 	snop;
	(pc) =	sbr.ind lr, $3  }
0x3a: {  	_ = 	snop  }
0x3b: {  	_ = 	snop  }
0x3c: {  	p2 =	seq.s32 s10, $0x1;
	s10 =	sld [smem:$0x3FBB]  }
0x3d: {  	_ =	shalt  }
0x3e: {  	_ =	shalt  }
0x3f: {  	_ =	shalt  }
0x40: {  	_ =	shalt  }
0x41: {  	_ =	shalt  }
0x42: {  	_ =	shalt  }
0x43: {  	_ =	shalt  }
0x44: {  	_ =	shalt  }
0x45: {  	_ =	shalt  }
0x46: {  	_ =	shalt  }
0x47: {  	_ =	shalt  }
0x48: {  	_ =	shalt  }
0x49: {  	_ =	shalt  }
0x4a: {  	_ =	shalt  }
0x4b: {  	_ =	shalt  }
0x4c: {  	_ =	shalt  }
0x4d: {  	_ =	shalt  }
0x4e: {  	_ =	shalt  }
0x4f: {  	_ =	shalt  }
0x50: {  	_ =	shalt  }
0x51: {  	_ =	shalt  }
0x52: {  	_ =	shalt  }
0x53: {  	_ =	shalt  }
0x54: {  	_ =	shalt  }
0x55: {  	_ =	shalt  }
0x56: {  	_ =	shalt  }
0x57: {  	_ =	shalt  }
0x58: {  	_ =	shalt  }
0x59: {  	_ =	shalt  }
0x5a: {  	_ =	shalt  }
0x5b: {  	_ =	shalt  }
0x5c: {  	_ =	shalt  }
0x5d: {  	_ =	shalt  }
0x5e: {  	_ =	shalt  }
0x5f: {  	_ =	shalt  }
0x60: {  	_ =	shalt  }
0x61: {  	_ =	shalt  }
0x62: {  	_ =	shalt  }
0x63: {  	_ =	shalt  }
0x64: {  	_ =	shalt  }
0x65: {  	_ =	shalt  }
0x66: {  	_ =	shalt  }
0x67: {  	_ =	shalt  }
0x68: {  	_ =	shalt  }
0x69: {  	_ =	shalt  }
0x6a: {  	_ =	shalt  }
0x6b: {  	_ =	shalt  }
0x6c: {  	_ =	shalt  }
0x6d: {  	_ =	shalt  }
0x6e: {  	_ =	shalt  }
0x6f: {  	_ =	shalt  }
0x70: {  	_ =	shalt  }
0x71: {  	_ =	shalt  }
0x72: {  	_ =	shalt  }
0x73: {  	_ =	shalt  }
0x74: {  	_ =	shalt  }
0x75: {  	_ =	shalt  }
0x76: {  	_ =	shalt  }
0x77: {  	_ =	shalt  }
0x78: {  	_ =	shalt  }
0x79: {  	_ =	shalt  }
0x7a: {  	_ =	shalt  }
0x7b: {  	_ =	shalt  }
0x7c: {  	_ =	shalt  }
0x7d: {  	_ =	shalt  }
0x7e: {  	_ =	shalt  }
0x7f: {  	_ =	shalt  }
0x80: {  	_ =	shalt  }
0x81: {  	_ =	shalt  }
0x82: {  	_ =	shalt  }
0x83: {  	_ =	shalt  }
0x84: {  	_ =	shalt  }
0x85: {  	_ =	shalt  }
0x86: {  	_ =	shalt  }
0x87: {  	_ =	shalt  }
.Lfunc_end0:
.L_simem_size_0:
called_computation_lowered:
.L_overlay_start_0:
0x88: {  	s2 =	sld [smem:$0x3FD9]  }
0x89: {  	s3 =	sld [smem:$0x3FFE];
	_ =	sdelay $0x1  }
0x8a: {  	s1 =	srdreg.scid  }
0x8b: {  	s0 =	sand.u32 $0x1, s1  }
0x8c: {  	s17 =	sshll.u32 s0, $0xA;
	s2 =	sadd.s32 s3, s2  }
0x8d: {  	s2 =	sadd.s32 s2, s17  }
0x8e: {  	[smem:$0x3FC7] =	sst s2  }
0x8f: {  	_ = 	snop  }
0x90: {  	s2 =	sld [smem:$0x3FC9];
	(tm) =	ssettm $0x1  }
0x91: {  	s18 =	sld [smem:$0x3FFB];
	_ =	sdelay $0x3  }
0x92: {  	_ =	strace s18  }
0x93: {  	s3 =	sld [smem:$0x3FFC];
	_ =	sdelay $0x3  }
0x94: {  	_ =	strace s3  }
0x95: {  	s3 =	sld [smem:$0x3FFD];
	_ =	sdelay $0x3  }
0x96: {  	_ =	strace s3  }
0x97: {  	_ =	strace $0x8FFFFFFF  }
0x98: {  	s19 =	sld [smem:$0x3FDB];
	_ =	sdelay $0x1  }
0x99: {  	s4 =	simm.s32 $_scs_section_size  }
0x9a: {  	s5 =	simm.s32 $_size__tile_overlayer_lowered;
	s6 =	simm.s32 $_tile_overlayer_lowered  }
0x9b: {  	s22 =	simm.s32 $0x1BFF;
	s21 =	sshll.u32 s6, $0x1;
	s3 =	sadd.s32 s4, s19  }
0x9c: {  	s7 =	simm.s32 $0x0;
	s20 =	sshll.u32 s5, $0x1;
	s5 =	sadd.s32 s21, s3  }
0x9d: {  	[timem:s7], [sflag:s22] =	dma.local [hbm:s5], s20  }
0x9e: {  	_ =	swait.ge [sflag:s22], s20  }
0x9f: {  	s4 =	ssub.s32 $0x0, s20;
	[sflag:s22] =	ssyncset.done $0x0  }
0xa0: {  	[sflag:s22] =	ssyncadd.s32 s4;
	_ =	sdelay $0x1  }
0xa1: {  	s23 =	simm.s32 $0x1B8B  }
0xa2: {  	_ =	swait.ge [sflag:s23], $0x1  }
0xa3: {  	[sflag:s23] =	ssyncset.done $0x0  }
0xa4: {  	s25 =	simm.s32 $0x1B8E;
	s24 =	sld [smem:$0x3FFE];
	[sflag:s23] =	ssyncadd.s32 $0xFFFFFFFF  }
0xa5: {  	s26 =	simm.s32 $execute0_lowered;
	[smem:$0x3FD2] =	sst s25  }
0xa6: {  	s5 =	sshll.u32 s26, $0x1;
	_ =	strace $0x80000046;
	[dreg:$0x1] =	wrdreg $0xFFFFFFFF  }
0xa7: {  	s28 =	simm.s32 $_size_execute0_lowered;
	s3 =	sadd.s32 s3, s5;
	[dreg:$0x0] =	wrdreg $0x0  }
0xa8: {  	s5 =	sshll.u32 s28, $0x1;
	[dreg:$0x2] =	wrdreg s3  }
0xa9: {  	[dreg:$0x3] =	wrdreg s5  }
0xaa: {  	[dreg:$0x4] =	wrdreg $0xC0  }
0xab: {  	_ =	task [dreg:s7], $0x5FFFF  }
0xac: {  	[dreg:$0x1] =	wrdreg $0xFFFFFFFF  }
0xad: {  	[dreg:$0x0] =	wrdreg $0x60  }
0xae: {  	[dreg:$0x2] =	wrdreg s2  }
0xaf: {  	[dreg:$0x3] =	wrdreg s24  }
0xb0: {  	[dreg:$0x4] =	wrdreg $0x9  }
0xb1: {  	_ =	task.clear_ibuf [dreg:s7], $0x5FFFF;
	_ =	strace $0x90000046  }
0xb2: {  	s29 =	simm.s32 $0x9;
	_ =	strace $0x80000048  }
0xb3: {  	_ =	swait.ge [sflag:s29], $0x1  }
0xb4: {  	[sflag:s29] =	ssyncadd.s32 $0xFFFFFFFF  }
0xb5: {  	_ =	strace $0x90000048  }
0xb6: {  	_ =	sfence  }
0xb7: {  	s30 =	sld [smem:$0x0];
	_ =	sdelay $0x2  }
0xb8: {  	s31 =	sshll.u32 s1, $0xD;
	s1 =	sshrl.u32 s1, $0x2  }
0xb9: {  	s3 =	sand.u32 $0x4000, s31;
	s1 =	sadd.s32 s1, s30  }
0xba: {  	s0 =	sor.u32 s3, s0;
	s1 =	sshll.u32 s1, $0x11  }
0xbb: {  	s0 =	sor.u32 s1, s0  }
0xbc: {  	s0 =	sadd.s32 $0x8F2B, s0  }
0xbd: {  	[sflag:s0] =	ssyncadd.remote.s32 $0x1  }
0xbe: {  	_ =	sfence.sel $0xFFFF  }
0xbf: {  	[dreg:$0x0] =	wrdreg $0xFFFFFFFF;
	(pc) =	sbr.abs _section_cstart, $3  }
0xc0: {  	[dreg:$0x1] =	wrdreg $0xFFFFFFFF  }
0xc1: {  	_ =	task.clear_ibuf [dreg:s7], $0x2FFFF;
	_ =	strace $0x9FFFFFFF  }
0xc2: {  	(tm) =	ssettm $0x7FFFFFFF  }
0xc3: {  	_ =	shalt  }
tec
execute0_lowered:
.L_overlay_start_1:
0x0: {  	(tag) =	ssettag $0x1  }
0x1: {  	s1 =	stileid.u32  }
0x2: {  	p0 =	seq.s32 s1, $0xF  }
.Ltmp0:
0x3: {  	_ = 	snop;
	(pc) =	sbr.rel @p0 .LBB2_5-.Ltmp0, $4  }
0x4: {  	s3 =	rddreg [dreg:$0x0]  }
0x5: {  	s4 =	rddreg [dreg:$0x1];
	s2 =	simm.s32 $0x0  }
0x6: {  	[smem:$0x7FF] =	sst s2  }
0x7: {  	s0 =	rddreg [dreg:$0x2];
	_ =	strace $0x80000047  }
0x8: {  	s5 =	srdreg.scid  }
0x9: {  	s6 =	sshll.u32 s1, $0x1;
	s5 =	sand.u32 $0x1, s5  }
0xa: {  	s6 =	sor.u32 s5, s6  }
0xb: {  	s7 =	smul.u32 $0x1A, s6;
	_ =	sdelay $0x1  }
0xc: {  	s8 =	smul.u32 $0x34, s1;
	s7 =	sshrl.u32 s7, $0x8  }
0xd: {  	s7 =	smul.u32 $0xA, s7;
	_ =	sdelay $0x1  }
0xe: {  	s8 =	sshrl.u32 s8, $0x8;
	s7 =	ssub.s32 s6, s7  }
0xf: {  	s5 =	ssub.s32 $0x2, s5;
	s8 =	smul.u32 $0x220000, s8;
	s7 =	sand.u32 $0xFF, s7  }
0x10: {  	s30 =	sshrl.u32 s5, $0x1;
	s7 =	sshll.u32 s7, $0xF  }
0x11: {  	s5 =	ssub.s32 s5, s30;
	s6 =	sshll.u32 s6, $0x7;
	s7 =	sadd.s32 s7, s8  }
0x12: {  	s5 =	smax.u32 s5, $0x1;
	s4 =	sadd.s32 s6, s4;
	s7 =	sshrl.u32 s7, $0x3  }
0x13: {  	s6 =	simm.s32 $0x1;
	s8 =	simm.s32 $0x0;
	s31 =	sadd.s32 s3, s7  }
0x14: {  	s3 =	sadd.s32 $0x800, s4;
	s7 =	simm.s32 $0x8000;
	s4 =	sadd.s32 $0x39000, s31  }
.LBB2_2:
0x15: {  	s9 =	simm.s32 $0x0  }
0x16: {  	[tilespmem:s9], [sflag:$0x1] =	stream.linear.gather [hbm4b:s4+s9], $0x8000, $0x38;
	[tilespmem:$0x8400] =	vst v63  }
0x17: {  	_ =	swait.ge [sflag:s6], $0x8000  }
0x18: {  	[sflag:s6] =	ssyncset.done $0x0  }
0x19: {  	s9 =	simm.s32 $0x0;
	[sflag:s6] =	ssyncadd.s32 $0xFFFF8000  }
0x1a: {  	v6 =	vld [tilespmem:s9+$0x70]  }
0x1b: {  	v7 =	vld [tilespmem:s9+$0xF0]  }
0x1c: {  	v8 =	vld [tilespmem:s9+$0x170]  }
0x1d: {  	v9 =	vld [tilespmem:s9+$0x1F0]  }
0x1e: {  	v0 =	vld [tilespmem:s9+$0x270]  }
0x1f: {  	v1 =	vld [tilespmem:s9+$0x2F0]  }
0x20: {  	v14 =	vld [tilespmem:s9+$0x60]  }
0x21: {  	v16 =	vld [tilespmem:s9+$0xE0]  }
0x22: {  	v13 =	vld [tilespmem:s9+$0x160]  }
0x23: {  	v15 =	vld [tilespmem:s9+$0x1E0]  }
0x24: {  	v3 =	vld [tilespmem:s9+$0x260]  }
0x25: {  	v2 =	vld [tilespmem:s9+$0x2E0]  }
0x26: {  	v17 =	vld [tilespmem:s9+$0x50]  }
0x27: {  	v18 =	vld [tilespmem:s9+$0xD0]  }
0x28: {  	v19 =	vld [tilespmem:s9+$0x150]  }
0x29: {  	v24 =	vld [tilespmem:s9+$0x1D0]  }
0x2a: {  	v4 =	vld [tilespmem:s9+$0x250]  }
0x2b: {  	v5 =	vld [tilespmem:s9+$0x2D0]  }
0x2c: {  	v20 =	vld [tilespmem:s9+$0x40]  }
0x2d: {  	v22 =	vld [tilespmem:s9+$0xC0]  }
0x2e: {  	v23 =	vld [tilespmem:s9+$0x140]  }
0x2f: {  	v30 =	vld [tilespmem:s9+$0x1C0]  }
0x30: {  	v10 =	vld [tilespmem:s9+$0x240]  }
0x31: {  	v27 =	vld [tilespmem:s9+$0x30]  }
0x32: {  	v28 =	vld [tilespmem:s9+$0xB0]  }
0x33: {  	v25 =	vld [tilespmem:s9+$0x20]  }
0x34: {  	v26 =	vld [tilespmem:s9+$0xA0]  }
0x35: {  	v11 =	vld [tilespmem:s9+$0x10]  }
0x36: {  	v21 =	vld [tilespmem:s9+$0x90]  }
0x37: {  	v29 =	vld [tilespmem:s9+$0x0]  }
0x38: {  	v31 =	vld [tilespmem:s9+$0x80]  }
0x39: {  	v32 =	vld [tilespmem:s9+$0x100]  }
0x3a: {  	v33 =	vld [tilespmem:s9+$0x180]  }
0x3b: {  	v34 =	vld [tilespmem:s9+$0x110]  }
0x3c: {  	v35 =	vld [tilespmem:s9+$0x190]  }
0x3d: {  	v12 =	vimm.f32 $0.0e+00;
	v36 =	vld [tilespmem:s9+$0x120]  }
0x3e: {  	v37 =	vld [tilespmem:s9+$0x1A0];
	v29 =	vadd.f32 v29, v12;
	v31 =	vadd.f32 v31, v12  }
0x3f: {  	v38 =	vld [tilespmem:s9+$0x130];
	v32 =	vadd.f32 v32, v12;
	v33 =	vadd.f32 v33, v12  }
0x40: {  	v39 =	vld [tilespmem:s9+$0x1B0];
	v29 =	vadd.f32 v11, v29;
	v31 =	vadd.f32 v21, v31  }
0x41: {  	v11 =	vld [tilespmem:s9+$0x2C0];
	v32 =	vadd.f32 v34, v32;
	v33 =	vadd.f32 v35, v33  }
0x42: {  	v21 =	vld [tilespmem:s9+$0x230];
	v29 =	vadd.f32 v25, v29;
	v31 =	vadd.f32 v26, v31  }
0x43: {  	v25 =	vld [tilespmem:s9+$0x2B0];
	v32 =	vadd.f32 v36, v32;
	v33 =	vadd.f32 v37, v33  }
0x44: {  	v26 =	vld [tilespmem:s9+$0x220];
	v29 =	vadd.f32 v27, v29;
	v31 =	vadd.f32 v28, v31  }
0x45: {  	v27 =	vld [tilespmem:s9+$0x2A0];
	v32 =	vadd.f32 v38, v32;
	v33 =	vadd.f32 v39, v33  }
0x46: {  	v28 =	vld [tilespmem:s9+$0x210];
	v20 =	vadd.f32 v20, v29;
	v22 =	vadd.f32 v22, v31  }
0x47: {  	v29 =	vld [tilespmem:s9+$0x290];
	v23 =	vadd.f32 v23, v32;
	v63 =	vadd.f32 v30, v33  }
0x48: {  	v30 =	vld [tilespmem:s9+$0x200];
	v20 =	vadd.f32 v17, v20;
	v22 =	vadd.f32 v18, v22  }
0x49: {  	v31 =	vld [tilespmem:s9+$0x280];
	v23 =	vadd.f32 v19, v23;
	v24 =	vadd.f32 v24, v63  }
0x4a: {  	s10 =	simm.s32 $0x1000;
	v32 =	vld [tilespmem:s9+$0x300];
	v19 =	vimm.f32 $0.0e+00;
	v18 =	vimm.f32 $0.0e+00;
	v17 =	vimm.f32 $0.0e+00  }
.LBB2_3:
0x4b: {  	p0 =	sne.s32 s10, $0x1F000;
	v14 =	vadd.f32 v14, v20;
	v16 =	vadd.f32 v16, v22;
	v33 =	vld [tilespmem:s9+$0x380]  }
0x4c: {  	v13 =	vadd.f32 v13, v23;
	v15 =	vadd.f32 v15, v24;
	v34 =	vld [tilespmem:s9+$0x310]  }
0x4d: {  	v22 =	vadd.f32 v6, v14;
	v23 =	vadd.f32 v7, v16;
	v6 =	vld [tilespmem:s9+$0x390]  }
0x4e: {  	v24 =	vadd.f32 v8, v13;
	v20 =	vadd.f32 v9, v15;
	v7 =	vld [tilespmem:s9+$0x320]  }
0x4f: {  	v8 =	vadd.f32 v30, v12;
	v9 =	vadd.f32 v31, v19;
	v12 =	vld [tilespmem:s9+$0x3A0]  }
0x50: {  	v13 =	vadd.f32 v32, v18;
	v14 =	vld [tilespmem:s9+$0x330];
	v15 =	vadd.f32 v33, v17  }
0x51: {  	v8 =	vadd.f32 v28, v8;
	v9 =	vadd.f32 v29, v9;
	v16 =	vld [tilespmem:s9+$0x3B0]  }
0x52: {  	v13 =	vadd.f32 v34, v13;
	v17 =	vld [tilespmem:s9+$0x340];
	v6 =	vadd.f32 v6, v15  }
0x53: {  	v8 =	vadd.f32 v26, v8;
	v9 =	vadd.f32 v27, v9;
	v15 =	vld [tilespmem:s9+$0x3C0]  }
0x54: {  	v7 =	vadd.f32 v7, v13;
	v13 =	vld [tilespmem:s9+$0x350];
	v6 =	vadd.f32 v12, v6  }
0x55: {  	v8 =	vadd.f32 v21, v8;
	v9 =	vadd.f32 v25, v9;
	v12 =	vld [tilespmem:s9+$0x3D0]  }
0x56: {  	v7 =	vadd.f32 v14, v7;
	v14 =	vld [tilespmem:s9+$0x360];
	v6 =	vadd.f32 v16, v6  }
0x57: {  	v8 =	vadd.f32 v10, v8;
	v9 =	vadd.f32 v11, v9;
	v10 =	vld [tilespmem:s9+$0x3E0]  }
0x58: {  	v7 =	vadd.f32 v17, v7;
	v11 =	vld [tilespmem:s9+$0x370];
	v15 =	vadd.f32 v15, v6  }
0x59: {  	v4 =	vadd.f32 v4, v8;
	v5 =	vadd.f32 v5, v9;
	v16 =	vld [tilespmem:s9+$0x3F0];
	s9 =	sshra.s32 s10, $0x2  }
0x5a: {  	v9 =	vadd.f32 v13, v7;
	v6 =	vld [tilespmem:s9+$0x70];
	v12 =	vadd.f32 v12, v15  }
0x5b: {  	v3 =	vadd.f32 v3, v4;
	v2 =	vadd.f32 v2, v5;
	v7 =	vld [tilespmem:s9+$0xF0]  }
0x5c: {  	v4 =	vadd.f32 v14, v9;
	v8 =	vld [tilespmem:s9+$0x170];
	v5 =	vadd.f32 v10, v12  }
0x5d: {  	v12 =	vadd.f32 v0, v3;
	v19 =	vadd.f32 v1, v2;
	v9 =	vld [tilespmem:s9+$0x1F0]  }
0x5e: {  	v18 =	vadd.f32 v11, v4;
	v0 =	vld [tilespmem:s9+$0x270];
	v17 =	vadd.f32 v16, v5  }
0x5f: {  	v1 =	vld [tilespmem:s9+$0x2F0]  }
0x60: {  	v14 =	vld [tilespmem:s9+$0x60]  }
0x61: {  	v16 =	vld [tilespmem:s9+$0xE0]  }
0x62: {  	v13 =	vld [tilespmem:s9+$0x160]  }
0x63: {  	v15 =	vld [tilespmem:s9+$0x1E0]  }
0x64: {  	v3 =	vld [tilespmem:s9+$0x260]  }
0x65: {  	v2 =	vld [tilespmem:s9+$0x2E0]  }
0x66: {  	v31 =	vld [tilespmem:s9+$0x50]  }
0x67: {  	v32 =	vld [tilespmem:s9+$0xD0]  }
0x68: {  	v33 =	vld [tilespmem:s9+$0x150]  }
0x69: {  	v34 =	vld [tilespmem:s9+$0x1D0]  }
0x6a: {  	v4 =	vld [tilespmem:s9+$0x250]  }
0x6b: {  	v5 =	vld [tilespmem:s9+$0x2D0]  }
0x6c: {  	v29 =	vld [tilespmem:s9+$0x40]  }
0x6d: {  	v30 =	vld [tilespmem:s9+$0xC0]  }
0x6e: {  	v35 =	vld [tilespmem:s9+$0x140]  }
0x6f: {  	v36 =	vld [tilespmem:s9+$0x1C0]  }
0x70: {  	v10 =	vld [tilespmem:s9+$0x240]  }
0x71: {  	v11 =	vld [tilespmem:s9+$0x2C0]  }
0x72: {  	v27 =	vld [tilespmem:s9+$0x30]  }
0x73: {  	v28 =	vld [tilespmem:s9+$0xB0]  }
0x74: {  	v25 =	vld [tilespmem:s9+$0x20]  }
0x75: {  	v26 =	vld [tilespmem:s9+$0xA0]  }
0x76: {  	v21 =	vld [tilespmem:s9+$0x10]  }
0x77: {  	v37 =	vld [tilespmem:s9+$0x90]  }
0x78: {  	v38 =	vld [tilespmem:s9+$0x0]  }
0x79: {  	v39 =	vld [tilespmem:s9+$0x80]  }
0x7a: {  	v40 =	vld [tilespmem:s9+$0x100]  }
0x7b: {  	v41 =	vld [tilespmem:s9+$0x180]  }
0x7c: {  	v42 =	vld [tilespmem:s9+$0x110]  }
0x7d: {  	v43 =	vld [tilespmem:s9+$0x190]  }
0x7e: {  	v44 =	vld [tilespmem:s9+$0x120]  }
0x7f: {  	v22 =	vadd.f32 v38, v22;
	v23 =	vadd.f32 v39, v23;
	v38 =	vld [tilespmem:s9+$0x1A0]  }
0x80: {  	v24 =	vadd.f32 v40, v24;
	v39 =	vld [tilespmem:s9+$0x130];
	v20 =	vadd.f32 v41, v20  }
0x81: {  	v22 =	vadd.f32 v21, v22;
	v23 =	vadd.f32 v37, v23;
	v37 =	vld [tilespmem:s9+$0x1B0]  }
0x82: {  	v24 =	vadd.f32 v42, v24;
	v20 =	vadd.f32 v43, v20;
	v21 =	vld [tilespmem:s9+$0x230]  }
0x83: {  	v22 =	vadd.f32 v25, v22;
	v23 =	vadd.f32 v26, v23;
	v25 =	vld [tilespmem:s9+$0x2B0]  }
0x84: {  	v24 =	vadd.f32 v44, v24;
	v20 =	vadd.f32 v38, v20;
	v26 =	vld [tilespmem:s9+$0x220]  }
0x85: {  	v22 =	vadd.f32 v27, v22;
	v23 =	vadd.f32 v28, v23;
	v27 =	vld [tilespmem:s9+$0x2A0]  }
.Ltmp1:
0x86: {  	v24 =	vadd.f32 v39, v24;
	v20 =	vadd.f32 v37, v20;
	v28 =	vld [tilespmem:s9+$0x210];
	(pc) =	sbr.rel @p0 .LBB2_3-.Ltmp1, $4  }
0x87: {  	v22 =	vadd.f32 v29, v22;
	v23 =	vadd.f32 v30, v23;
	v29 =	vld [tilespmem:s9+$0x290]  }
0x88: {  	v24 =	vadd.f32 v35, v24;
	v35 =	vadd.f32 v36, v20;
	v30 =	vld [tilespmem:s9+$0x200]  }
0x89: {  	v20 =	vadd.f32 v31, v22;
	v22 =	vadd.f32 v32, v23;
	v31 =	vld [tilespmem:s9+$0x280]  }
0x8a: {  	s10 =	sadd.s32 $0x1000, s10;
	v23 =	vadd.f32 v33, v24;
	v24 =	vadd.f32 v34, v35;
	v32 =	vld [tilespmem:s9+$0x300]  }
0x8b: {  	v14 =	vadd.f32 v14, v20;
	v16 =	vadd.f32 v16, v22  }
0x8c: {  	v40 =	vld [tilespmem:s9+$0x380];
	v13 =	vadd.f32 v13, v23;
	v15 =	vadd.f32 v15, v24  }
0x8d: {  	v41 =	vld [tilespmem:s9+$0x310];
	v6 =	vadd.f32 v6, v14;
	v7 =	vadd.f32 v7, v16  }
0x8e: {  	v42 =	vld [tilespmem:s9+$0x390];
	v12 =	vadd.f32 v30, v12;
	v8 =	vadd.f32 v8, v13  }
0x8f: {  	v43 =	vld [tilespmem:s9+$0x320];
	v9 =	vadd.f32 v9, v15;
	v44 =	vadd.f32 v31, v19  }
0x90: {  	v45 =	vld [tilespmem:s9+$0x3A0];
	v18 =	vadd.f32 v32, v18;
	v12 =	vadd.f32 v28, v12  }
0x91: {  	v46 =	vld [tilespmem:s9+$0x330];
	v17 =	vadd.f32 v40, v17;
	v15 =	vadd.f32 v29, v44  }
0x92: {  	v47 =	vld [tilespmem:s9+$0x3B0];
	v18 =	vadd.f32 v41, v18;
	v12 =	vadd.f32 v26, v12  }
0x93: {  	v48 =	vld [tilespmem:s9+$0x340];
	v14 =	vadd.f32 v42, v17;
	v15 =	vadd.f32 v27, v15  }
0x94: {  	v49 =	vld [tilespmem:s9+$0x3C0];
	v13 =	vadd.f32 v43, v18;
	v12 =	vadd.f32 v21, v12  }
0x95: {  	v50 =	vld [tilespmem:s9+$0x350];
	v14 =	vadd.f32 v45, v14;
	v15 =	vadd.f32 v25, v15  }
0x96: {  	v51 =	vld [tilespmem:s9+$0x3D0];
	v13 =	vadd.f32 v46, v13;
	v10 =	vadd.f32 v10, v12  }
0x97: {  	v52 =	vld [tilespmem:s9+$0x360];
	v53 =	vadd.f32 v47, v14;
	v11 =	vadd.f32 v11, v15  }
0x98: {  	v54 =	vld [tilespmem:s9+$0x3E0];
	v13 =	vadd.f32 v48, v13;
	v4 =	vadd.f32 v4, v10  }
0x99: {  	v55 =	vld [tilespmem:s9+$0x370];
	v56 =	vadd.f32 v49, v53;
	v5 =	vadd.f32 v5, v11  }
0x9a: {  	v57 =	vld [tilespmem:s9+$0x3F0];
	[tilespmem:$0x8000] =	vst v6;
	v58 =	vadd.f32 v50, v13;
	v3 =	vadd.f32 v3, v4  }
0x9b: {  	[tilespmem:$0x8080] =	vst v7;
	v59 =	vadd.f32 v51, v56;
	v2 =	vadd.f32 v2, v5  }
0x9c: {  	[tilespmem:$0x8100] =	vst v8;
	v60 =	vadd.f32 v52, v58;
	v0 =	vadd.f32 v0, v3  }
0x9d: {  	[tilespmem:$0x8180] =	vst v9;
	v61 =	vadd.f32 v54, v59;
	v1 =	vadd.f32 v1, v2  }
0x9e: {  	v62 =	vadd.f32 v55, v60;
	[tilespmem:$0x8200] =	vst v0  }
0x9f: {  	s8 =	sadd.s32 $0x1, s8;
	v63 =	vadd.f32 v57, v61;
	[tilespmem:$0x8280] =	vst v1  }
0xa0: {  	p0 =	sne.s32 s8, s5;
	[tilespmem:$0x8300] =	vst v62  }
.Ltmp2:
0xa1: {  	[tilespmem:$0x8380] =	vst v63;
	(pc) =	sbr.rel @p0 .LBB2_2-.Ltmp2, $4  }
0xa2: {  	[hbm4b:s3+s2] =	stream.linear.scatter [tilespmem:s7], [sflag:$0x1], $0x400, $0x38;
	[tilespmem:$0x8400] =	vst v63  }
0xa3: {  	_ =	swait.ge [sflag:s6], $0x400  }
0xa4: {  	[sflag:s6] =	ssyncset.done $0x0  }
0xa5: {  	[sflag:s6] =	ssyncadd.s32 $0xFFFFFC00  }
.LBB2_5:
0xa6: {  	_ =	sfence.sel $0x180000  }
0xa7: {  	[bflag:$0x0] =	sbarrier.arrive $0xFFFF  }
0xa8: {  	p0 =	sne.s32 s1, $0x0;
	_ =	strace $0x90000047  }
0xa9: {  	s0 =	sadd.s32 @!p0 $0x100000, s0;
	[bflag:$0x2] =	sbarrier.arrive $0xFFFF  }
0xaa: {  	[sflag:s0] =	ssyncadd.tile.s32 @!p0 $0x1;
	_ =	shalt  }
.Lfunc_end2:
_tile_overlayer_lowered:
.L_overlay_start_2:
0xab: {  	(tag) =	ssettag $0x2  }
0xac: {  	s0 =	rddreg [dreg:$0x0];
	s2 =	stileid.u32  }
0xad: {  	s1 =	rddreg [dreg:$0x1];
	p0 =	sne.s32 s2, $0x0  }
0xae: {  	s3 =	rddreg [dreg:$0x2];
	[bflag:$0x3] =	sbarrier.arrive $0xFFFF;
	s2 =	simm.s32 @!p0 $0x1C01  }
0xaf: {  	[timem:s3], [sflag:s2] =	dma.local @!p0 [hbm:s0], s1  }
0xb0: {  	s0 =	simm.s32 @!p0 $0x1  }
0xb1: {  	_ =	swait.ge @!p0 [sflag:s0], s1  }
0xb2: {  	s1 =	ssub.s32 @!p0 $0x0, s1;
	[sflag:s0] =	ssyncset.done @!p0 $0x0  }
0xb3: {  	[sflag:s0] =	ssyncadd.s32 @!p0 s1  }
0xb4: {  	[bflag:$0x3] =	sbarrier.arrive $0xFFFF  }
0xb5: {  	_ =	shalt  }

</sc_bundles>
